<compile_context>
chip_gen: v7x
topology: tpu7x:2x2x1
jax: 0.10.2.dev20260603
libtpu: 0.0.44.dev20260713+nightly
codegen_flags: <defaults>
</compile_context>

<pallas_src>
import functools

import jax
import jax.numpy as jnp
from jax import lax
from jax.experimental import pallas as pl
from jax.experimental.pallas import tpu as pltpu
from jax.experimental.pallas import tpu_sc as plsc

N = 10000
E = 320000
D = 128
H = 64
HW = 128
GF = 16
B = 64
C = 2
EPS = 1e-5

NC = 2
NS = 16
NW = NC * NS
CHUNK = 128
CPW = 80
EPW = CPW * CHUNK
EP = NW * EPW
PAD_NODE = N
NP = 10240
RPT = NP // NS


def _sc_mesh():
    return plsc.VectorSubcoreMesh(
        core_axis_name="c", subcore_axis_name="s",
        num_cores=NC, num_subcores=NS)


@functools.cache
def _sc_deg_kernel():
    return functools.partial(
        pl.kernel,
        out_type=jax.ShapeDtypeStruct((NC, NP), jnp.float32),
        mesh=_sc_mesh(),
        scratch_types=[
            pltpu.VMEM((CPW, CHUNK), jnp.int32),
            pltpu.VMEM((CHUNK,), jnp.float32),
            pltpu.VMEM_SHARED((NP,), jnp.float32),
        ],
    )(_sc_deg_body)


def _sc_deg_body(dst_hbm, zero1_hbm, out_hbm, dst_v, ones_v, acc_sh):
    c = lax.axis_index("c")
    s = lax.axis_index("s")
    wid = s * NC + c
    lo = s * RPT
    pltpu.sync_copy(zero1_hbm.at[pl.ds(lo, RPT)], acc_sh.at[pl.ds(lo, RPT)])
    pltpu.sync_copy(dst_hbm.at[wid], dst_v)
    for i in range(CHUNK // 16):
        ones_v[pl.ds(i * 16, 16)] = jnp.ones((16,), jnp.float32)
    plsc.subcore_barrier()

    def body(j, carry):
        pltpu.sync_copy(ones_v, acc_sh.at[dst_v.at[j]], add=True)
        return carry

    lax.fori_loop(0, CPW, body, 0)
    plsc.subcore_barrier()
    pltpu.sync_copy(acc_sh.at[pl.ds(lo, RPT)], out_hbm.at[c, pl.ds(lo, RPT)])


@functools.cache
def _sc_edge_kernel():
    return functools.partial(
        pl.kernel,
        out_type=jax.ShapeDtypeStruct((NC, NP, HW), jnp.float32),
        mesh=_sc_mesh(),
        scratch_types=[
            pltpu.VMEM((CPW, CHUNK), jnp.int32),
            pltpu.VMEM((CPW, CHUNK), jnp.int32),
            pltpu.VMEM((CHUNK, HW), jnp.float32),
            pltpu.VMEM_SHARED((NP, HW), jnp.float32),
            pltpu.SemaphoreType.DMA,
        ],
    )(_sc_edge_body)


def _sc_edge_body(xs_hbm, src_hbm, dst_hbm, zero_hbm, out_hbm,
                  src_v, dst_v, rows_v, acc_sh, sem):
    c = lax.axis_index("c")
    s = lax.axis_index("s")
    wid = s * NC + c
    lo = s * RPT
    pltpu.sync_copy(zero_hbm.at[pl.ds(lo, RPT)], acc_sh.at[pl.ds(lo, RPT)])
    pltpu.sync_copy(src_hbm.at[wid], src_v)
    pltpu.sync_copy(dst_hbm.at[wid], dst_v)
    plsc.subcore_barrier()

    def body(j, carry):
        pltpu.async_copy(xs_hbm.at[src_v.at[j]], rows_v, sem).wait()
        pltpu.sync_copy(rows_v, acc_sh.at[dst_v.at[j]], add=True)
        return carry

    lax.fori_loop(0, CPW, body, 0)
    plsc.subcore_barrier()
    pltpu.sync_copy(acc_sh.at[pl.ds(lo, RPT)], out_hbm.at[c, pl.ds(lo, RPT)])



def _tc_xw0_body(x_ref, w_ref, out_ref):
    out_ref[...] = jnp.dot(x_ref[...], w_ref[...],
                           preferred_element_type=jnp.float32)


def _tc_prep_body(degp_ref, xw_ref, dinv_ref, xs_ref):
    deg = degp_ref[:, 0:1] + degp_ref[:, 1:2] + 1.0
    dinv = jnp.where(deg > 0, lax.rsqrt(deg), 0.0)
    dinv_ref[...] = dinv
    xs_ref[...] = xw_ref[...] * dinv


def _bn_relu_mask(agg, g, be):
    rmask = lax.broadcasted_iota(jnp.int32, (NP, 1), 0) < N
    aggm = jnp.where(rmask, agg, 0.0)
    mu = jnp.sum(aggm, axis=0, keepdims=True) / N
    dcen = jnp.where(rmask, agg - mu, 0.0)
    var = jnp.sum(dcen * dcen, axis=0, keepdims=True) / N
    h = (agg - mu) * lax.rsqrt(var + EPS) * g + be
    return jnp.where(rmask, jnp.maximum(h, 0.0), 0.0)


def _tc_mid_body(p_ref, xs_ref, dinv_ref, b_ref, g_ref, be_ref, w_ref,
                 out_ref):
    scat = p_ref[0] + p_ref[1] + xs_ref[...]
    agg = scat * dinv_ref[...] + b_ref[...]
    h = _bn_relu_mask(agg, g_ref[...], be_ref[...])
    out_ref[...] = jnp.dot(h, w_ref[...],
                           preferred_element_type=jnp.float32) * dinv_ref[...]


def _tc_final_body(p_ref, xs_ref, dinv_ref, b_ref, g_ref, be_ref,
                   bt_ref, gf_ref, wl_ref, bl_ref, out_ref):
    scat = p_ref[0] + p_ref[1] + xs_ref[...]
    agg = scat * dinv_ref[...] + b_ref[...]
    h = _bn_relu_mask(agg, g_ref[...], be_ref[...])
    oh = (lax.broadcasted_iota(jnp.int32, (B, NP), 0)
          == bt_ref[...]).astype(jnp.float32)
    sums = jnp.dot(oh, h, preferred_element_type=jnp.float32)
    counts = jnp.sum(oh, axis=1, keepdims=True)
    pooled = sums / jnp.maximum(counts, 1.0)
    fused = jnp.concatenate([pooled[:, :H], gf_ref[...]], axis=1)
    out_ref[...] = jnp.dot(fused, wl_ref[...],
                           preferred_element_type=jnp.float32) + bl_ref[...]


def _tc_call(body, out_shapes):
    return pl.pallas_call(body, out_shape=out_shapes)


def _padw(w, rows, cols):
    return jnp.zeros((rows, cols), jnp.float32).at[:w.shape[0],
                                                   :w.shape[1]].set(w)



def kernel(x, edge_index, batch, graph_features,
           W0, b0, g0, be0, W1, b1, g1, be1, W2, b2, g2, be2, Wl, bl):
    f32 = jnp.float32
    x_pad = jnp.zeros((NP, D), f32).at[:N].set(x)
    pad_ids = jnp.full((EP - E,), PAD_NODE, jnp.int32)
    src = jnp.concatenate([edge_index[0], pad_ids]).reshape(NW, CPW, CHUNK)
    dst = jnp.concatenate([edge_index[1], pad_ids]).reshape(NW, CPW, CHUNK)
    bt = jnp.full((NP,), B, jnp.int32).at[:N].set(batch).reshape(1, NP)
    zero1 = jnp.zeros((NP,), f32)
    zero = jnp.zeros((NP, HW), f32)
    W0p, W1p, W2p = _padw(W0, D, HW), _padw(W1, HW, HW), _padw(W2, HW, HW)
    b0r, g0r, be0r = (_padw(v.reshape(1, H), 1, HW) for v in (b0, g0, be0))
    b1r, g1r, be1r = (_padw(v.reshape(1, H), 1, HW) for v in (b1, g1, be1))
    b2r, g2r, be2r = (_padw(v.reshape(1, H), 1, HW) for v in (b2, g2, be2))
    blr = bl.reshape(1, C)

    degp = _sc_deg_kernel()(dst, zero1)
    xw0 = _tc_call(_tc_xw0_body,
                   jax.ShapeDtypeStruct((NP, HW), f32))(x_pad, W0p)
    degp_t = degp.T
    dinv, xs0 = _tc_call(_tc_prep_body,
                         (jax.ShapeDtypeStruct((NP, 1), f32),
                          jax.ShapeDtypeStruct((NP, HW), f32)))(degp_t, xw0)

    p0 = _sc_edge_kernel()(xs0, src, dst, zero)
    xs1 = _tc_call(_tc_mid_body, jax.ShapeDtypeStruct((NP, HW), f32))(
        p0, xs0, dinv, b0r, g0r, be0r, W1p)
    p1 = _sc_edge_kernel()(xs1, src, dst, zero)
    xs2 = _tc_call(_tc_mid_body, jax.ShapeDtypeStruct((NP, HW), f32))(
        p1, xs1, dinv, b1r, g1r, be1r, W2p)
    p2 = _sc_edge_kernel()(xs2, src, dst, zero)
    out = _tc_call(_tc_final_body, jax.ShapeDtypeStruct((B, C), f32))(
        p2, xs2, dinv, b2r, g2r, be2r, bt, graph_features, Wl, blr)
    return out

# --- scband reference (transcript-rebuilt; emitter-appended) ---
"""Pipeline reference for scband-enhanced-eeggcn-28913719837315 (READ-ONLY COPY).

The authoritative reference and input builder live on the scoring server;
editing this copy changes nothing except your own understanding.
"""

import jax, jax.numpy as jnp
import numpy as np

N = 10000
E = 320000
D = 128
H = 64
O = 64
GF = 16
B = 64
C = 2
EPS = 1e-5


def setup_inputs(seed: int = 0) -> dict:
    key = jax.random.key(seed)
    ks = jax.random.split(key, 24)
    x = jax.random.normal(ks[0], (N, D), dtype=jnp.float32)
    edge_index = jax.random.randint(ks[1], (2, E), 0, N, dtype=jnp.int32)
    batch = jnp.sort(jax.random.randint(ks[2], (N,), 0, B, dtype=jnp.int32))
    graph_features = jax.random.normal(ks[3], (B, GF), dtype=jnp.float32)
    def lin(k, fi, fo):
        return jax.random.normal(k, (fi, fo), dtype=jnp.float32) / np.sqrt(fi)
    params = {
        'W0': lin(ks[4], D, H), 'b0': jnp.zeros((H,), jnp.float32),
        'g0': jnp.ones((H,), jnp.float32), 'be0': jnp.zeros((H,), jnp.float32),
        'W1': lin(ks[5], H, H), 'b1': jnp.zeros((H,), jnp.float32),
        'g1': jnp.ones((H,), jnp.float32), 'be1': jnp.zeros((H,), jnp.float32),
        'W2': lin(ks[6], H, O), 'b2': jnp.zeros((O,), jnp.float32),
        'g2': jnp.ones((O,), jnp.float32), 'be2': jnp.zeros((O,), jnp.float32),
        'Wl': lin(ks[7], O + GF, C), 'bl': jnp.zeros((C,), jnp.float32),
    }
    return {'x': x, 'edge_index': edge_index, 'batch': batch,
            'graph_features': graph_features, **params}


def _gcn_conv(x, W, b, src, dst, norm, n):
    xw = x @ W
    msg = xw[src] * norm[:, None]
    agg = jax.ops.segment_sum(msg, dst, num_segments=n)
    return agg + b


def _bn(x, g, be):
    mu = jnp.mean(x, axis=0)
    var = jnp.mean((x - mu) ** 2, axis=0)
    return (x - mu) / jnp.sqrt(var + EPS) * g + be


def reference(x, edge_index, batch, graph_features,
              W0, b0, g0, be0, W1, b1, g1, be1, W2, b2, g2, be2, Wl, bl):
    n = x.shape[0]
    loops = jnp.arange(n, dtype=edge_index.dtype)
    src = jnp.concatenate([edge_index[0], loops])
    dst = jnp.concatenate([edge_index[1], loops])
    deg = jax.ops.segment_sum(jnp.ones_like(dst, dtype=x.dtype), dst, num_segments=n)
    dinv = jnp.where(deg > 0, 1.0 / jnp.sqrt(deg), 0.0)
    norm = dinv[src] * dinv[dst]
    # layer 0 (dropout is identity in eval)
    h = _gcn_conv(x, W0, b0, src, dst, norm, n)
    h = jax.nn.relu(_bn(h, g0, be0))
    # layer 1
    h = _gcn_conv(h, W1, b1, src, dst, norm, n)
    h = jax.nn.relu(_bn(h, g1, be1))
    # layer 2 (final)
    h = _gcn_conv(h, W2, b2, src, dst, norm, n)
    h = jax.nn.relu(_bn(h, g2, be2))
    # global mean pool over batch assignment
    sums = jax.ops.segment_sum(h, batch, num_segments=B)
    counts = jax.ops.segment_sum(jnp.ones((n,), h.dtype), batch, num_segments=B)
    pooled = sums / jnp.clip(counts, 1.0)[:, None]
    # concat fusion with graph-level features
    fused = jnp.concatenate([pooled, graph_features], axis=1)
    return fused @ Wl + bl

if __name__ == "__main__":
    import jax
    _d = setup_inputs()
    print(jax.jit(kernel)(*tuple(_d.values())))

</pallas_src>

<mosaic_0001>
#map = affine_map<(d0, d1) -> (0, 0, 0)>
#map1 = affine_map<(d0, d1) -> (0)>
#map2 = affine_map<(d0, d1) -> (0, 0)>
module attributes {stable_mosaic.version = 14 : i64} {
  func.func @_sc_deg_body(%arg0: i32, %arg1: i32, %arg2: memref<32x80x128xi32, #tpu.memory_space<hbm>>, %arg3: memref<10240xf32, #tpu.memory_space<hbm>>, %arg4: memref<2x10240xf32, #tpu.memory_space<hbm>>, %arg5: memref<80x128xi32, #tpu.memory_space<vmem>>, %arg6: memref<128xf32, #tpu.memory_space<vmem>>, %arg7: memref<10240xf32, #tpu.memory_space<vmem_shared>>) attributes {dimension_semantics = [#tpu.dimension_semantics<core_parallel>, #tpu.dimension_semantics<subcore_parallel>], iteration_bounds = array<i64: 2, 16>, scalar_prefetch = 0 : i64, scratch_operands = 3 : i64, tpu.core_type = #tpu.core_type<sc_vector_subcore>, window_params = [{transform_indices = #map}, {transform_indices = #map1}, {transform_indices = #map2}]} {
    %mul3A = arith.constant 2 : i32
    %mul3A_0 = arith.muli %arg1, %mul3A : i32
    %add3A = arith.addi %mul3A_0, %arg0 : i32
    %mul3A_1 = arith.constant 640 : i32
    %mul3A_2 = arith.muli %arg1, %mul3A_1 : i32
    "tpu.region"() ({
      %run_scoped3A = tpu.sem_alloc : memref<!tpu.dma_semaphore, #tpu.memory_space<semaphore_mem>>
      %dma_start3A = tpu.memref_slice %arg7[%mul3A_2] : memref<10240xf32, #tpu.memory_space<vmem_shared>> -> memref<640xf32, #tpu.memory_space<vmem_shared>>
      %dma_start3A_55 = tpu.memref_slice %arg3[%mul3A_2] : memref<10240xf32, #tpu.memory_space<hbm>> -> memref<640xf32, #tpu.memory_space<hbm>>
      tpu.enqueue_dma source(%dma_start3A_55 : memref<640xf32, #tpu.memory_space<hbm>>) target(%dma_start3A : memref<640xf32, #tpu.memory_space<vmem_shared>>) target_semaphore(%run_scoped3A : memref<!tpu.dma_semaphore, #tpu.memory_space<semaphore_mem>>)
      %dma_wait3A = tpu.memref_slice %arg7[%mul3A_2] : memref<10240xf32, #tpu.memory_space<vmem_shared>> -> memref<640xf32, #tpu.memory_space<vmem_shared>>
      %dma_wait3A_56 = tpu.memref_slice %arg3[%mul3A_2] : memref<10240xf32, #tpu.memory_space<hbm>> -> memref<640xf32, #tpu.memory_space<hbm>>
      tpu.wait_dma2 semaphore(%run_scoped3A : memref<!tpu.dma_semaphore, #tpu.memory_space<semaphore_mem>>) src(%dma_wait3A_56 : memref<640xf32, #tpu.memory_space<hbm>>) dst(%dma_wait3A : memref<640xf32, #tpu.memory_space<vmem_shared>>)
      tpu.yield
    }) : () -> ()
    "tpu.region"() ({
      %run_scoped3A = tpu.sem_alloc : memref<!tpu.dma_semaphore, #tpu.memory_space<semaphore_mem>>
      %dma_start3A = arith.constant 0 : i32
      %dma_start3A_55 = arith.constant 0 : i32
      %dma_start3A_56 = tpu.memref_slice %arg2[%add3A, %dma_start3A, %dma_start3A_55] : memref<32x80x128xi32, #tpu.memory_space<hbm>> -> memref<1x80x128xi32, #tpu.memory_space<hbm>>
      %dma_start3A_57 = tpu.memref_squeeze %dma_start3A_56 : memref<1x80x128xi32, #tpu.memory_space<hbm>> -> memref<80x128xi32, #tpu.memory_space<hbm>>
      %dma_start3A_58 = arith.constant 0 : i32
      %dma_start3A_59 = arith.constant 0 : i32
      %dma_start3A_60 = tpu.memref_slice %arg2[%add3A, %dma_start3A_58, %dma_start3A_59] : memref<32x80x128xi32, #tpu.memory_space<hbm>> -> memref<1x80x128xi32, #tpu.memory_space<hbm>>
      %dma_start3A_61 = tpu.memref_squeeze %dma_start3A_60 : memref<1x80x128xi32, #tpu.memory_space<hbm>> -> memref<80x128xi32, #tpu.memory_space<hbm>>
      tpu.enqueue_dma source(%dma_start3A_61 : memref<80x128xi32, #tpu.memory_space<hbm>>) target(%arg5 : memref<80x128xi32, #tpu.memory_space<vmem>>) target_semaphore(%run_scoped3A : memref<!tpu.dma_semaphore, #tpu.memory_space<semaphore_mem>>)
      %dma_wait3A = arith.constant 0 : i32
      %dma_wait3A_62 = arith.constant 0 : i32
      %dma_wait3A_63 = tpu.memref_slice %arg2[%add3A, %dma_wait3A, %dma_wait3A_62] : memref<32x80x128xi32, #tpu.memory_space<hbm>> -> memref<1x80x128xi32, #tpu.memory_space<hbm>>
      %dma_wait3A_64 = tpu.memref_squeeze %dma_wait3A_63 : memref<1x80x128xi32, #tpu.memory_space<hbm>> -> memref<80x128xi32, #tpu.memory_space<hbm>>
      %dma_wait3A_65 = arith.constant 0 : i32
      %dma_wait3A_66 = arith.constant 0 : i32
      %dma_wait3A_67 = tpu.memref_slice %arg2[%add3A, %dma_wait3A_65, %dma_wait3A_66] : memref<32x80x128xi32, #tpu.memory_space<hbm>> -> memref<1x80x128xi32, #tpu.memory_space<hbm>>
      %dma_wait3A_68 = tpu.memref_squeeze %dma_wait3A_67 : memref<1x80x128xi32, #tpu.memory_space<hbm>> -> memref<80x128xi32, #tpu.memory_space<hbm>>
      tpu.wait_dma2 semaphore(%run_scoped3A : memref<!tpu.dma_semaphore, #tpu.memory_space<semaphore_mem>>) src(%dma_wait3A_68 : memref<80x128xi32, #tpu.memory_space<hbm>>) dst(%arg5 : memref<80x128xi32, #tpu.memory_space<vmem>>)
      tpu.yield
    }) : () -> ()
    %broadcast_in_dim3A = arith.constant 1.000000e+00 : f32
    %broadcast_in_dim3A_3 = vector.broadcast %broadcast_in_dim3A : f32 to vector<16xf32>
    %swap3A = arith.constant 0 : index
    %swap3A_4 = tpu.vector_load %arg6[%swap3A] {strides = array<i32>} : memref<128xf32, #tpu.memory_space<vmem>>, vector<16xf32>,
    %swap3A_5 = vector.shape_cast %swap3A_4 : vector<16xf32> to vector<16xf32>
    %swap3A_6 = vector.shape_cast %broadcast_in_dim3A_3 : vector<16xf32> to vector<16xf32>
    tpu.vector_store %arg6[%swap3A], %swap3A_6 {strides = array<i32>} : memref<128xf32, #tpu.memory_space<vmem>>, vector<16xf32>,
    %broadcast_in_dim3A_7 = arith.constant 1.000000e+00 : f32
    %broadcast_in_dim3A_8 = vector.broadcast %broadcast_in_dim3A_7 : f32 to vector<16xf32>
    %swap3A_9 = arith.constant 16 : index
    %swap3A_10 = tpu.vector_load %arg6[%swap3A_9] {strides = array<i32>} : memref<128xf32, #tpu.memory_space<vmem>>, vector<16xf32>,
    %swap3A_11 = vector.shape_cast %swap3A_10 : vector<16xf32> to vector<16xf32>
    %swap3A_12 = vector.shape_cast %broadcast_in_dim3A_8 : vector<16xf32> to vector<16xf32>
    tpu.vector_store %arg6[%swap3A_9], %swap3A_12 {strides = array<i32>} : memref<128xf32, #tpu.memory_space<vmem>>, vector<16xf32>,
    %broadcast_in_dim3A_13 = arith.constant 1.000000e+00 : f32
    %broadcast_in_dim3A_14 = vector.broadcast %broadcast_in_dim3A_13 : f32 to vector<16xf32>
    %swap3A_15 = arith.constant 32 : index
    %swap3A_16 = tpu.vector_load %arg6[%swap3A_15] {strides = array<i32>} : memref<128xf32, #tpu.memory_space<vmem>>, vector<16xf32>,
    %swap3A_17 = vector.shape_cast %swap3A_16 : vector<16xf32> to vector<16xf32>
    %swap3A_18 = vector.shape_cast %broadcast_in_dim3A_14 : vector<16xf32> to vector<16xf32>
    tpu.vector_store %arg6[%swap3A_15], %swap3A_18 {strides = array<i32>} : memref<128xf32, #tpu.memory_space<vmem>>, vector<16xf32>,
    %broadcast_in_dim3A_19 = arith.constant 1.000000e+00 : f32
    %broadcast_in_dim3A_20 = vector.broadcast %broadcast_in_dim3A_19 : f32 to vector<16xf32>
    %swap3A_21 = arith.constant 48 : index
    %swap3A_22 = tpu.vector_load %arg6[%swap3A_21] {strides = array<i32>} : memref<128xf32, #tpu.memory_space<vmem>>, vector<16xf32>,
    %swap3A_23 = vector.shape_cast %swap3A_22 : vector<16xf32> to vector<16xf32>
    %swap3A_24 = vector.shape_cast %broadcast_in_dim3A_20 : vector<16xf32> to vector<16xf32>
    tpu.vector_store %arg6[%swap3A_21], %swap3A_24 {strides = array<i32>} : memref<128xf32, #tpu.memory_space<vmem>>, vector<16xf32>,
    %broadcast_in_dim3A_25 = arith.constant 1.000000e+00 : f32
    %broadcast_in_dim3A_26 = vector.broadcast %broadcast_in_dim3A_25 : f32 to vector<16xf32>
    %swap3A_27 = arith.constant 64 : index
    %swap3A_28 = tpu.vector_load %arg6[%swap3A_27] {strides = array<i32>} : memref<128xf32, #tpu.memory_space<vmem>>, vector<16xf32>,
    %swap3A_29 = vector.shape_cast %swap3A_28 : vector<16xf32> to vector<16xf32>
    %swap3A_30 = vector.shape_cast %broadcast_in_dim3A_26 : vector<16xf32> to vector<16xf32>
    tpu.vector_store %arg6[%swap3A_27], %swap3A_30 {strides = array<i32>} : memref<128xf32, #tpu.memory_space<vmem>>, vector<16xf32>,
    %broadcast_in_dim3A_31 = arith.constant 1.000000e+00 : f32
    %broadcast_in_dim3A_32 = vector.broadcast %broadcast_in_dim3A_31 : f32 to vector<16xf32>
    %swap3A_33 = arith.constant 80 : index
    %swap3A_34 = tpu.vector_load %arg6[%swap3A_33] {strides = array<i32>} : memref<128xf32, #tpu.memory_space<vmem>>, vector<16xf32>,
    %swap3A_35 = vector.shape_cast %swap3A_34 : vector<16xf32> to vector<16xf32>
    %swap3A_36 = vector.shape_cast %broadcast_in_dim3A_32 : vector<16xf32> to vector<16xf32>
    tpu.vector_store %arg6[%swap3A_33], %swap3A_36 {strides = array<i32>} : memref<128xf32, #tpu.memory_space<vmem>>, vector<16xf32>,
    %broadcast_in_dim3A_37 = arith.constant 1.000000e+00 : f32
    %broadcast_in_dim3A_38 = vector.broadcast %broadcast_in_dim3A_37 : f32 to vector<16xf32>
    %swap3A_39 = arith.constant 96 : index
    %swap3A_40 = tpu.vector_load %arg6[%swap3A_39] {strides = array<i32>} : memref<128xf32, #tpu.memory_space<vmem>>, vector<16xf32>,
    %swap3A_41 = vector.shape_cast %swap3A_40 : vector<16xf32> to vector<16xf32>
    %swap3A_42 = vector.shape_cast %broadcast_in_dim3A_38 : vector<16xf32> to vector<16xf32>
    tpu.vector_store %arg6[%swap3A_39], %swap3A_42 {strides = array<i32>} : memref<128xf32, #tpu.memory_space<vmem>>, vector<16xf32>,
    %broadcast_in_dim3A_43 = arith.constant 1.000000e+00 : f32
    %broadcast_in_dim3A_44 = vector.broadcast %broadcast_in_dim3A_43 : f32 to vector<16xf32>
    %swap3A_45 = arith.constant 112 : index
    %swap3A_46 = tpu.vector_load %arg6[%swap3A_45] {strides = array<i32>} : memref<128xf32, #tpu.memory_space<vmem>>, vector<16xf32>,
    %swap3A_47 = vector.shape_cast %swap3A_46 : vector<16xf32> to vector<16xf32>
    %swap3A_48 = vector.shape_cast %broadcast_in_dim3A_44 : vector<16xf32> to vector<16xf32>
    tpu.vector_store %arg6[%swap3A_45], %swap3A_48 {strides = array<i32>} : memref<128xf32, #tpu.memory_space<vmem>>, vector<16xf32>,
    %barrier3A = arith.constant 0 : index
    tpu.barrier barrier_id(%barrier3A)
    %scan3A = arith.constant 0 : i32
    %scan3A_49 = arith.constant 0 : i32
    %scan3A_50 = arith.constant 80 : i32
    %scan3A_51 = arith.addi %scan3A_49, %scan3A_50 : i32
    %scan3A_52 = arith.constant 1 : i32
    scf.for %scan3A_55 = %scan3A_49 to %scan3A_51 step %scan3A_52  : i32 {
      "tpu.region"() ({
        %run_scoped3A = tpu.sem_alloc : memref<!tpu.dma_semaphore, #tpu.memory_space<semaphore_mem>>
        %dma_start3A = arith.constant 0 : i32
        %dma_start3A_56 = tpu.memref_slice %arg5[%scan3A_55, %dma_start3A] : memref<80x128xi32, #tpu.memory_space<vmem>> -> memref<1x128xi32, #tpu.memory_space<vmem>>
        %dma_start3A_57 = tpu.memref_squeeze %dma_start3A_56 : memref<1x128xi32, #tpu.memory_space<vmem>> -> memref<128xi32, #tpu.memory_space<vmem>>
        %dma_start3A_58 = arith.constant 0 : i32
        %dma_start3A_59 = tpu.memref_slice %arg7[%dma_start3A_58] : memref<10240xf32, #tpu.memory_space<vmem_shared>> -> memref<10240xf32, #tpu.memory_space<vmem_shared>>
        tpu.enqueue_indirect_dma source(%arg6 : memref<128xf32, #tpu.memory_space<vmem>>) target(%dma_start3A_59 : memref<10240xf32, #tpu.memory_space<vmem_shared>>) offsets(%dma_start3A_57 : memref<128xi32, #tpu.memory_space<vmem>>) semaphore(%run_scoped3A : memref<!tpu.dma_semaphore, #tpu.memory_space<semaphore_mem>>) {add = true}
        %dma_wait3A = arith.constant 0 : i32
        %dma_wait3A_60 = tpu.memref_slice %arg5[%scan3A_55, %dma_wait3A] : memref<80x128xi32, #tpu.memory_space<vmem>> -> memref<1x128xi32, #tpu.memory_space<vmem>>
        %dma_wait3A_61 = tpu.memref_squeeze %dma_wait3A_60 : memref<1x128xi32, #tpu.memory_space<vmem>> -> memref<128xi32, #tpu.memory_space<vmem>>
        %dma_wait3A_62 = arith.constant 0 : i32
        %dma_wait3A_63 = tpu.memref_slice %arg7[%dma_wait3A_62] : memref<10240xf32, #tpu.memory_space<vmem_shared>> -> memref<10240xf32, #tpu.memory_space<vmem_shared>>
        tpu.wait_indirect_dma semaphore(%run_scoped3A : memref<!tpu.dma_semaphore, #tpu.memory_space<semaphore_mem>>) src(%arg6 : memref<128xf32, #tpu.memory_space<vmem>>) dst(%dma_wait3A_63 : memref<10240xf32, #tpu.memory_space<vmem_shared>>)
        tpu.yield
      }) : () -> ()
    }
    %scan3A_53 = arith.constant 80 : i32
    %barrier3A_54 = arith.constant 0 : index
    tpu.barrier barrier_id(%barrier3A_54)
    "tpu.region"() ({
      %run_scoped3A = tpu.sem_alloc : memref<!tpu.dma_semaphore, #tpu.memory_space<semaphore_mem>>
      %dma_start3A = tpu.memref_slice %arg4[%arg0, %mul3A_2] : memref<2x10240xf32, #tpu.memory_space<hbm>> -> memref<1x640xf32, #tpu.memory_space<hbm>>
      %dma_start3A_55 = tpu.memref_squeeze %dma_start3A : memref<1x640xf32, #tpu.memory_space<hbm>> -> memref<640xf32, #tpu.memory_space<hbm>>
      %dma_start3A_56 = tpu.memref_slice %arg7[%mul3A_2] : memref<10240xf32, #tpu.memory_space<vmem_shared>> -> memref<640xf32, #tpu.memory_space<vmem_shared>>
      tpu.enqueue_dma source(%dma_start3A_56 : memref<640xf32, #tpu.memory_space<vmem_shared>>) target(%dma_start3A_55 : memref<640xf32, #tpu.memory_space<hbm>>) target_semaphore(%run_scoped3A : memref<!tpu.dma_semaphore, #tpu.memory_space<semaphore_mem>>)
      %dma_wait3A = tpu.memref_slice %arg4[%arg0, %mul3A_2] : memref<2x10240xf32, #tpu.memory_space<hbm>> -> memref<1x640xf32, #tpu.memory_space<hbm>>
      %dma_wait3A_57 = tpu.memref_squeeze %dma_wait3A : memref<1x640xf32, #tpu.memory_space<hbm>> -> memref<640xf32, #tpu.memory_space<hbm>>
      %dma_wait3A_58 = tpu.memref_slice %arg7[%mul3A_2] : memref<10240xf32, #tpu.memory_space<vmem_shared>> -> memref<640xf32, #tpu.memory_space<vmem_shared>>
      tpu.wait_dma2 semaphore(%run_scoped3A : memref<!tpu.dma_semaphore, #tpu.memory_space<semaphore_mem>>) src(%dma_wait3A_58 : memref<640xf32, #tpu.memory_space<vmem_shared>>) dst(%dma_wait3A_57 : memref<640xf32, #tpu.memory_space<hbm>>)
      tpu.yield
    }) : () -> ()
    return
  }
}

#map = affine_map<(d0, d1) -> (0, 0)>
#map1 = affine_map<(d0, d1) -> (0, 0, 0)>
module attributes {stable_mosaic.version = 14 : i64} {
  func.func @_sc_edge_body(%arg0: i32, %arg1: i32, %arg2: memref<10240x128xf32, #tpu.memory_space<hbm>>, %arg3: memref<32x80x128xi32, #tpu.memory_space<hbm>>, %arg4: memref<32x80x128xi32, #tpu.memory_space<hbm>>, %arg5: memref<10240x128xf32, #tpu.memory_space<hbm>>, %arg6: memref<2x10240x128xf32, #tpu.memory_space<hbm>>, %arg7: memref<80x128xi32, #tpu.memory_space<vmem>>, %arg8: memref<80x128xi32, #tpu.memory_space<vmem>>, %arg9: memref<128x128xf32, #tpu.memory_space<vmem>>, %arg10: memref<10240x128xf32, #tpu.memory_space<vmem_shared>>, %arg11: memref<!tpu.dma_semaphore, #tpu.memory_space<semaphore_mem>>) attributes {dimension_semantics = [#tpu.dimension_semantics<core_parallel>, #tpu.dimension_semantics<subcore_parallel>], iteration_bounds = array<i64: 2, 16>, scalar_prefetch = 0 : i64, scratch_operands = 5 : i64, tpu.core_type = #tpu.core_type<sc_vector_subcore>, window_params = [{transform_indices = #map}, {transform_indices = #map1}, {transform_indices = #map1}, {transform_indices = #map}, {transform_indices = #map1}]} {
    %mul3A = arith.constant 2 : i32
    %mul3A_0 = arith.muli %arg1, %mul3A : i32
    %add3A = arith.addi %mul3A_0, %arg0 : i32
    %mul3A_1 = arith.constant 640 : i32
    %mul3A_2 = arith.muli %arg1, %mul3A_1 : i32
    "tpu.region"() ({
      %run_scoped3A = tpu.sem_alloc : memref<!tpu.dma_semaphore, #tpu.memory_space<semaphore_mem>>
      %dma_start3A = arith.constant 0 : i32
      %dma_start3A_9 = tpu.memref_slice %arg10[%mul3A_2, %dma_start3A] : memref<10240x128xf32, #tpu.memory_space<vmem_shared>> -> memref<640x128xf32, #tpu.memory_space<vmem_shared>>
      %dma_start3A_10 = arith.constant 0 : i32
      %dma_start3A_11 = tpu.memref_slice %arg5[%mul3A_2, %dma_start3A_10] : memref<10240x128xf32, #tpu.memory_space<hbm>> -> memref<640x128xf32, #tpu.memory_space<hbm>>
      tpu.enqueue_dma source(%dma_start3A_11 : memref<640x128xf32, #tpu.memory_space<hbm>>) target(%dma_start3A_9 : memref<640x128xf32, #tpu.memory_space<vmem_shared>>) target_semaphore(%run_scoped3A : memref<!tpu.dma_semaphore, #tpu.memory_space<semaphore_mem>>)
      %dma_wait3A = arith.constant 0 : i32
      %dma_wait3A_12 = tpu.memref_slice %arg10[%mul3A_2, %dma_wait3A] : memref<10240x128xf32, #tpu.memory_space<vmem_shared>> -> memref<640x128xf32, #tpu.memory_space<vmem_shared>>
      %dma_wait3A_13 = arith.constant 0 : i32
      %dma_wait3A_14 = tpu.memref_slice %arg5[%mul3A_2, %dma_wait3A_13] : memref<10240x128xf32, #tpu.memory_space<hbm>> -> memref<640x128xf32, #tpu.memory_space<hbm>>
      tpu.wait_dma2 semaphore(%run_scoped3A : memref<!tpu.dma_semaphore, #tpu.memory_space<semaphore_mem>>) src(%dma_wait3A_14 : memref<640x128xf32, #tpu.memory_space<hbm>>) dst(%dma_wait3A_12 : memref<640x128xf32, #tpu.memory_space<vmem_shared>>)
      tpu.yield
    }) : () -> ()
    "tpu.region"() ({
      %run_scoped3A = tpu.sem_alloc : memref<!tpu.dma_semaphore, #tpu.memory_space<semaphore_mem>>
      %dma_start3A = arith.constant 0 : i32
      %dma_start3A_9 = arith.constant 0 : i32
      %dma_start3A_10 = tpu.memref_slice %arg3[%add3A, %dma_start3A, %dma_start3A_9] : memref<32x80x128xi32, #tpu.memory_space<hbm>> -> memref<1x80x128xi32, #tpu.memory_space<hbm>>
      %dma_start3A_11 = tpu.memref_squeeze %dma_start3A_10 : memref<1x80x128xi32, #tpu.memory_space<hbm>> -> memref<80x128xi32, #tpu.memory_space<hbm>>
      %dma_start3A_12 = arith.constant 0 : i32
      %dma_start3A_13 = arith.constant 0 : i32
      %dma_start3A_14 = tpu.memref_slice %arg3[%add3A, %dma_start3A_12, %dma_start3A_13] : memref<32x80x128xi32, #tpu.memory_space<hbm>> -> memref<1x80x128xi32, #tpu.memory_space<hbm>>
      %dma_start3A_15 = tpu.memref_squeeze %dma_start3A_14 : memref<1x80x128xi32, #tpu.memory_space<hbm>> -> memref<80x128xi32, #tpu.memory_space<hbm>>
      tpu.enqueue_dma source(%dma_start3A_15 : memref<80x128xi32, #tpu.memory_space<hbm>>) target(%arg7 : memref<80x128xi32, #tpu.memory_space<vmem>>) target_semaphore(%run_scoped3A : memref<!tpu.dma_semaphore, #tpu.memory_space<semaphore_mem>>)
      %dma_wait3A = arith.constant 0 : i32
      %dma_wait3A_16 = arith.constant 0 : i32
      %dma_wait3A_17 = tpu.memref_slice %arg3[%add3A, %dma_wait3A, %dma_wait3A_16] : memref<32x80x128xi32, #tpu.memory_space<hbm>> -> memref<1x80x128xi32, #tpu.memory_space<hbm>>
      %dma_wait3A_18 = tpu.memref_squeeze %dma_wait3A_17 : memref<1x80x128xi32, #tpu.memory_space<hbm>> -> memref<80x128xi32, #tpu.memory_space<hbm>>
      %dma_wait3A_19 = arith.constant 0 : i32
      %dma_wait3A_20 = arith.constant 0 : i32
      %dma_wait3A_21 = tpu.memref_slice %arg3[%add3A, %dma_wait3A_19, %dma_wait3A_20] : memref<32x80x128xi32, #tpu.memory_space<hbm>> -> memref<1x80x128xi32, #tpu.memory_space<hbm>>
      %dma_wait3A_22 = tpu.memref_squeeze %dma_wait3A_21 : memref<1x80x128xi32, #tpu.memory_space<hbm>> -> memref<80x128xi32, #tpu.memory_space<hbm>>
      tpu.wait_dma2 semaphore(%run_scoped3A : memref<!tpu.dma_semaphore, #tpu.memory_space<semaphore_mem>>) src(%dma_wait3A_22 : memref<80x128xi32, #tpu.memory_space<hbm>>) dst(%arg7 : memref<80x128xi32, #tpu.memory_space<vmem>>)
      tpu.yield
    }) : () -> ()
    "tpu.region"() ({
      %run_scoped3A = tpu.sem_alloc : memref<!tpu.dma_semaphore, #tpu.memory_space<semaphore_mem>>
      %dma_start3A = arith.constant 0 : i32
      %dma_start3A_9 = arith.constant 0 : i32
      %dma_start3A_10 = tpu.memref_slice %arg4[%add3A, %dma_start3A, %dma_start3A_9] : memref<32x80x128xi32, #tpu.memory_space<hbm>> -> memref<1x80x128xi32, #tpu.memory_space<hbm>>
      %dma_start3A_11 = tpu.memref_squeeze %dma_start3A_10 : memref<1x80x128xi32, #tpu.memory_space<hbm>> -> memref<80x128xi32, #tpu.memory_space<hbm>>
      %dma_start3A_12 = arith.constant 0 : i32
      %dma_start3A_13 = arith.constant 0 : i32
      %dma_start3A_14 = tpu.memref_slice %arg4[%add3A, %dma_start3A_12, %dma_start3A_13] : memref<32x80x128xi32, #tpu.memory_space<hbm>> -> memref<1x80x128xi32, #tpu.memory_space<hbm>>
      %dma_start3A_15 = tpu.memref_squeeze %dma_start3A_14 : memref<1x80x128xi32, #tpu.memory_space<hbm>> -> memref<80x128xi32, #tpu.memory_space<hbm>>
      tpu.enqueue_dma source(%dma_start3A_15 : memref<80x128xi32, #tpu.memory_space<hbm>>) target(%arg8 : memref<80x128xi32, #tpu.memory_space<vmem>>) target_semaphore(%run_scoped3A : memref<!tpu.dma_semaphore, #tpu.memory_space<semaphore_mem>>)
      %dma_wait3A = arith.constant 0 : i32
      %dma_wait3A_16 = arith.constant 0 : i32
      %dma_wait3A_17 = tpu.memref_slice %arg4[%add3A, %dma_wait3A, %dma_wait3A_16] : memref<32x80x128xi32, #tpu.memory_space<hbm>> -> memref<1x80x128xi32, #tpu.memory_space<hbm>>
      %dma_wait3A_18 = tpu.memref_squeeze %dma_wait3A_17 : memref<1x80x128xi32, #tpu.memory_space<hbm>> -> memref<80x128xi32, #tpu.memory_space<hbm>>
      %dma_wait3A_19 = arith.constant 0 : i32
      %dma_wait3A_20 = arith.constant 0 : i32
      %dma_wait3A_21 = tpu.memref_slice %arg4[%add3A, %dma_wait3A_19, %dma_wait3A_20] : memref<32x80x128xi32, #tpu.memory_space<hbm>> -> memref<1x80x128xi32, #tpu.memory_space<hbm>>
      %dma_wait3A_22 = tpu.memref_squeeze %dma_wait3A_21 : memref<1x80x128xi32, #tpu.memory_space<hbm>> -> memref<80x128xi32, #tpu.memory_space<hbm>>
      tpu.wait_dma2 semaphore(%run_scoped3A : memref<!tpu.dma_semaphore, #tpu.memory_space<semaphore_mem>>) src(%dma_wait3A_22 : memref<80x128xi32, #tpu.memory_space<hbm>>) dst(%arg8 : memref<80x128xi32, #tpu.memory_space<vmem>>)
      tpu.yield
    }) : () -> ()
    %barrier3A = arith.constant 0 : index
    tpu.barrier barrier_id(%barrier3A)
    %scan3A = arith.constant 0 : i32
    %scan3A_3 = arith.constant 0 : i32
    %scan3A_4 = arith.constant 80 : i32
    %scan3A_5 = arith.addi %scan3A_3, %scan3A_4 : i32
    %scan3A_6 = arith.constant 1 : i32
    scf.for %scan3A_9 = %scan3A_3 to %scan3A_5 step %scan3A_6  : i32 {
      %dma_start3A = arith.constant 0 : i32
      %dma_start3A_10 = tpu.memref_slice %arg7[%scan3A_9, %dma_start3A] : memref<80x128xi32, #tpu.memory_space<vmem>> -> memref<1x128xi32, #tpu.memory_space<vmem>>
      %dma_start3A_11 = tpu.memref_squeeze %dma_start3A_10 : memref<1x128xi32, #tpu.memory_space<vmem>> -> memref<128xi32, #tpu.memory_space<vmem>>
      %dma_start3A_12 = arith.constant 0 : i32
      %dma_start3A_13 = arith.constant 0 : i32
      %dma_start3A_14 = tpu.memref_slice %arg2[%dma_start3A_12, %dma_start3A_13] : memref<10240x128xf32, #tpu.memory_space<hbm>> -> memref<10240x128xf32, #tpu.memory_space<hbm>>
      tpu.enqueue_indirect_dma source(%dma_start3A_14 : memref<10240x128xf32, #tpu.memory_space<hbm>>) target(%arg9 : memref<128x128xf32, #tpu.memory_space<vmem>>) offsets(%dma_start3A_11 : memref<128xi32, #tpu.memory_space<vmem>>) semaphore(%arg11 : memref<!tpu.dma_semaphore, #tpu.memory_space<semaphore_mem>>)
      %dma_wait3A = arith.constant 0 : i32
      %dma_wait3A_15 = tpu.memref_slice %arg7[%scan3A_9, %dma_wait3A] : memref<80x128xi32, #tpu.memory_space<vmem>> -> memref<1x128xi32, #tpu.memory_space<vmem>>
      %dma_wait3A_16 = tpu.memref_squeeze %dma_wait3A_15 : memref<1x128xi32, #tpu.memory_space<vmem>> -> memref<128xi32, #tpu.memory_space<vmem>>
      %dma_wait3A_17 = arith.constant 0 : i32
      %dma_wait3A_18 = arith.constant 0 : i32
      %dma_wait3A_19 = tpu.memref_slice %arg2[%dma_wait3A_17, %dma_wait3A_18] : memref<10240x128xf32, #tpu.memory_space<hbm>> -> memref<10240x128xf32, #tpu.memory_space<hbm>>
      tpu.wait_indirect_dma semaphore(%arg11 : memref<!tpu.dma_semaphore, #tpu.memory_space<semaphore_mem>>) src(%dma_wait3A_19 : memref<10240x128xf32, #tpu.memory_space<hbm>>) dst(%arg9 : memref<128x128xf32, #tpu.memory_space<vmem>>)
      "tpu.region"() ({
        %run_scoped3A = tpu.sem_alloc : memref<!tpu.dma_semaphore, #tpu.memory_space<semaphore_mem>>
        %dma_start3A_20 = arith.constant 0 : i32
        %dma_start3A_21 = tpu.memref_slice %arg8[%scan3A_9, %dma_start3A_20] : memref<80x128xi32, #tpu.memory_space<vmem>> -> memref<1x128xi32, #tpu.memory_space<vmem>>
        %dma_start3A_22 = tpu.memref_squeeze %dma_start3A_21 : memref<1x128xi32, #tpu.memory_space<vmem>> -> memref<128xi32, #tpu.memory_space<vmem>>
        %dma_start3A_23 = arith.constant 0 : i32
        %dma_start3A_24 = arith.constant 0 : i32
        %dma_start3A_25 = tpu.memref_slice %arg10[%dma_start3A_23, %dma_start3A_24] : memref<10240x128xf32, #tpu.memory_space<vmem_shared>> -> memref<10240x128xf32, #tpu.memory_space<vmem_shared>>
        tpu.enqueue_indirect_dma source(%arg9 : memref<128x128xf32, #tpu.memory_space<vmem>>) target(%dma_start3A_25 : memref<10240x128xf32, #tpu.memory_space<vmem_shared>>) offsets(%dma_start3A_22 : memref<128xi32, #tpu.memory_space<vmem>>) semaphore(%run_scoped3A : memref<!tpu.dma_semaphore, #tpu.memory_space<semaphore_mem>>) {add = true}
        %dma_wait3A_26 = arith.constant 0 : i32
        %dma_wait3A_27 = tpu.memref_slice %arg8[%scan3A_9, %dma_wait3A_26] : memref<80x128xi32, #tpu.memory_space<vmem>> -> memref<1x128xi32, #tpu.memory_space<vmem>>
        %dma_wait3A_28 = tpu.memref_squeeze %dma_wait3A_27 : memref<1x128xi32, #tpu.memory_space<vmem>> -> memref<128xi32, #tpu.memory_space<vmem>>
        %dma_wait3A_29 = arith.constant 0 : i32
        %dma_wait3A_30 = arith.constant 0 : i32
        %dma_wait3A_31 = tpu.memref_slice %arg10[%dma_wait3A_29, %dma_wait3A_30] : memref<10240x128xf32, #tpu.memory_space<vmem_shared>> -> memref<10240x128xf32, #tpu.memory_space<vmem_shared>>
        tpu.wait_indirect_dma semaphore(%run_scoped3A : memref<!tpu.dma_semaphore, #tpu.memory_space<semaphore_mem>>) src(%arg9 : memref<128x128xf32, #tpu.memory_space<vmem>>) dst(%dma_wait3A_31 : memref<10240x128xf32, #tpu.memory_space<vmem_shared>>)
        tpu.yield
      }) : () -> ()
    }
    %scan3A_7 = arith.constant 80 : i32
    %barrier3A_8 = arith.constant 0 : index
    tpu.barrier barrier_id(%barrier3A_8)
    "tpu.region"() ({
      %run_scoped3A = tpu.sem_alloc : memref<!tpu.dma_semaphore, #tpu.memory_space<semaphore_mem>>
      %dma_start3A = arith.constant 0 : i32
      %dma_start3A_9 = tpu.memref_slice %arg6[%arg0, %mul3A_2, %dma_start3A] : memref<2x10240x128xf32, #tpu.memory_space<hbm>> -> memref<1x640x128xf32, #tpu.memory_space<hbm>>
      %dma_start3A_10 = tpu.memref_squeeze %dma_start3A_9 : memref<1x640x128xf32, #tpu.memory_space<hbm>> -> memref<640x128xf32, #tpu.memory_space<hbm>>
      %dma_start3A_11 = arith.constant 0 : i32
      %dma_start3A_12 = tpu.memref_slice %arg10[%mul3A_2, %dma_start3A_11] : memref<10240x128xf32, #tpu.memory_space<vmem_shared>> -> memref<640x128xf32, #tpu.memory_space<vmem_shared>>
      tpu.enqueue_dma source(%dma_start3A_12 : memref<640x128xf32, #tpu.memory_space<vmem_shared>>) target(%dma_start3A_10 : memref<640x128xf32, #tpu.memory_space<hbm>>) target_semaphore(%run_scoped3A : memref<!tpu.dma_semaphore, #tpu.memory_space<semaphore_mem>>)
      %dma_wait3A = arith.constant 0 : i32
      %dma_wait3A_13 = tpu.memref_slice %arg6[%arg0, %mul3A_2, %dma_wait3A] : memref<2x10240x128xf32, #tpu.memory_space<hbm>> -> memref<1x640x128xf32, #tpu.memory_space<hbm>>
      %dma_wait3A_14 = tpu.memref_squeeze %dma_wait3A_13 : memref<1x640x128xf32, #tpu.memory_space<hbm>> -> memref<640x128xf32, #tpu.memory_space<hbm>>
      %dma_wait3A_15 = arith.constant 0 : i32
      %dma_wait3A_16 = tpu.memref_slice %arg10[%mul3A_2, %dma_wait3A_15] : memref<10240x128xf32, #tpu.memory_space<vmem_shared>> -> memref<640x128xf32, #tpu.memory_space<vmem_shared>>
      tpu.wait_dma2 semaphore(%run_scoped3A : memref<!tpu.dma_semaphore, #tpu.memory_space<semaphore_mem>>) src(%dma_wait3A_16 : memref<640x128xf32, #tpu.memory_space<vmem_shared>>) dst(%dma_wait3A_14 : memref<640x128xf32, #tpu.memory_space<hbm>>)
      tpu.yield
    }) : () -> ()
    return
  }
}

#map = affine_map<(d0, d1) -> (0, 0)>
#map1 = affine_map<(d0, d1) -> (0, 0, 0)>
module attributes {stable_mosaic.version = 14 : i64} {
  func.func @_sc_edge_body(%arg0: i32, %arg1: i32, %arg2: memref<10240x128xf32, #tpu.memory_space<hbm>>, %arg3: memref<32x80x128xi32, #tpu.memory_space<hbm>>, %arg4: memref<32x80x128xi32, #tpu.memory_space<hbm>>, %arg5: memref<10240x128xf32, #tpu.memory_space<hbm>>, %arg6: memref<2x10240x128xf32, #tpu.memory_space<hbm>>, %arg7: memref<80x128xi32, #tpu.memory_space<vmem>>, %arg8: memref<80x128xi32, #tpu.memory_space<vmem>>, %arg9: memref<128x128xf32, #tpu.memory_space<vmem>>, %arg10: memref<10240x128xf32, #tpu.memory_space<vmem_shared>>, %arg11: memref<!tpu.dma_semaphore, #tpu.memory_space<semaphore_mem>>) attributes {dimension_semantics = [#tpu.dimension_semantics<core_parallel>, #tpu.dimension_semantics<subcore_parallel>], iteration_bounds = array<i64: 2, 16>, scalar_prefetch = 0 : i64, scratch_operands = 5 : i64, tpu.core_type = #tpu.core_type<sc_vector_subcore>, window_params = [{transform_indices = #map}, {transform_indices = #map1}, {transform_indices = #map1}, {transform_indices = #map}, {transform_indices = #map1}]} {
    %mul3A = arith.constant 2 : i32
    %mul3A_0 = arith.muli %arg1, %mul3A : i32
    %add3A = arith.addi %mul3A_0, %arg0 : i32
    %mul3A_1 = arith.constant 640 : i32
    %mul3A_2 = arith.muli %arg1, %mul3A_1 : i32
    "tpu.region"() ({
      %run_scoped3A = tpu.sem_alloc : memref<!tpu.dma_semaphore, #tpu.memory_space<semaphore_mem>>
      %dma_start3A = arith.constant 0 : i32
      %dma_start3A_9 = tpu.memref_slice %arg10[%mul3A_2, %dma_start3A] : memref<10240x128xf32, #tpu.memory_space<vmem_shared>> -> memref<640x128xf32, #tpu.memory_space<vmem_shared>>
      %dma_start3A_10 = arith.constant 0 : i32
      %dma_start3A_11 = tpu.memref_slice %arg5[%mul3A_2, %dma_start3A_10] : memref<10240x128xf32, #tpu.memory_space<hbm>> -> memref<640x128xf32, #tpu.memory_space<hbm>>
      tpu.enqueue_dma source(%dma_start3A_11 : memref<640x128xf32, #tpu.memory_space<hbm>>) target(%dma_start3A_9 : memref<640x128xf32, #tpu.memory_space<vmem_shared>>) target_semaphore(%run_scoped3A : memref<!tpu.dma_semaphore, #tpu.memory_space<semaphore_mem>>)
      %dma_wait3A = arith.constant 0 : i32
      %dma_wait3A_12 = tpu.memref_slice %arg10[%mul3A_2, %dma_wait3A] : memref<10240x128xf32, #tpu.memory_space<vmem_shared>> -> memref<640x128xf32, #tpu.memory_space<vmem_shared>>
      %dma_wait3A_13 = arith.constant 0 : i32
      %dma_wait3A_14 = tpu.memref_slice %arg5[%mul3A_2, %dma_wait3A_13] : memref<10240x128xf32, #tpu.memory_space<hbm>> -> memref<640x128xf32, #tpu.memory_space<hbm>>
      tpu.wait_dma2 semaphore(%run_scoped3A : memref<!tpu.dma_semaphore, #tpu.memory_space<semaphore_mem>>) src(%dma_wait3A_14 : memref<640x128xf32, #tpu.memory_space<hbm>>) dst(%dma_wait3A_12 : memref<640x128xf32, #tpu.memory_space<vmem_shared>>)
      tpu.yield
    }) : () -> ()
    "tpu.region"() ({
      %run_scoped3A = tpu.sem_alloc : memref<!tpu.dma_semaphore, #tpu.memory_space<semaphore_mem>>
      %dma_start3A = arith.constant 0 : i32
      %dma_start3A_9 = arith.constant 0 : i32
      %dma_start3A_10 = tpu.memref_slice %arg3[%add3A, %dma_start3A, %dma_start3A_9] : memref<32x80x128xi32, #tpu.memory_space<hbm>> -> memref<1x80x128xi32, #tpu.memory_space<hbm>>
      %dma_start3A_11 = tpu.memref_squeeze %dma_start3A_10 : memref<1x80x128xi32, #tpu.memory_space<hbm>> -> memref<80x128xi32, #tpu.memory_space<hbm>>
      %dma_start3A_12 = arith.constant 0 : i32
      %dma_start3A_13 = arith.constant 0 : i32
      %dma_start3A_14 = tpu.memref_slice %arg3[%add3A, %dma_start3A_12, %dma_start3A_13] : memref<32x80x128xi32, #tpu.memory_space<hbm>> -> memref<1x80x128xi32, #tpu.memory_space<hbm>>
      %dma_start3A_15 = tpu.memref_squeeze %dma_start3A_14 : memref<1x80x128xi32, #tpu.memory_space<hbm>> -> memref<80x128xi32, #tpu.memory_space<hbm>>
      tpu.enqueue_dma source(%dma_start3A_15 : memref<80x128xi32, #tpu.memory_space<hbm>>) target(%arg7 : memref<80x128xi32, #tpu.memory_space<vmem>>) target_semaphore(%run_scoped3A : memref<!tpu.dma_semaphore, #tpu.memory_space<semaphore_mem>>)
      %dma_wait3A = arith.constant 0 : i32
      %dma_wait3A_16 = arith.constant 0 : i32
      %dma_wait3A_17 = tpu.memref_slice %arg3[%add3A, %dma_wait3A, %dma_wait3A_16] : memref<32x80x128xi32, #tpu.memory_space<hbm>> -> memref<1x80x128xi32, #tpu.memory_space<hbm>>
      %dma_wait3A_18 = tpu.memref_squeeze %dma_wait3A_17 : memref<1x80x128xi32, #tpu.memory_space<hbm>> -> memref<80x128xi32, #tpu.memory_space<hbm>>
      %dma_wait3A_19 = arith.constant 0 : i32
      %dma_wait3A_20 = arith.constant 0 : i32
      %dma_wait3A_21 = tpu.memref_slice %arg3[%add3A, %dma_wait3A_19, %dma_wait3A_20] : memref<32x80x128xi32, #tpu.memory_space<hbm>> -> memref<1x80x128xi32, #tpu.memory_space<hbm>>
      %dma_wait3A_22 = tpu.memref_squeeze %dma_wait3A_21 : memref<1x80x128xi32, #tpu.memory_space<hbm>> -> memref<80x128xi32, #tpu.memory_space<hbm>>
      tpu.wait_dma2 semaphore(%run_scoped3A : memref<!tpu.dma_semaphore, #tpu.memory_space<semaphore_mem>>) src(%dma_wait3A_22 : memref<80x128xi32, #tpu.memory_space<hbm>>) dst(%arg7 : memref<80x128xi32, #tpu.memory_space<vmem>>)
      tpu.yield
    }) : () -> ()
    "tpu.region"() ({
      %run_scoped3A = tpu.sem_alloc : memref<!tpu.dma_semaphore, #tpu.memory_space<semaphore_mem>>
      %dma_start3A = arith.constant 0 : i32
      %dma_start3A_9 = arith.constant 0 : i32
      %dma_start3A_10 = tpu.memref_slice %arg4[%add3A, %dma_start3A, %dma_start3A_9] : memref<32x80x128xi32, #tpu.memory_space<hbm>> -> memref<1x80x128xi32, #tpu.memory_space<hbm>>
      %dma_start3A_11 = tpu.memref_squeeze %dma_start3A_10 : memref<1x80x128xi32, #tpu.memory_space<hbm>> -> memref<80x128xi32, #tpu.memory_space<hbm>>
      %dma_start3A_12 = arith.constant 0 : i32
      %dma_start3A_13 = arith.constant 0 : i32
      %dma_start3A_14 = tpu.memref_slice %arg4[%add3A, %dma_start3A_12, %dma_start3A_13] : memref<32x80x128xi32, #tpu.memory_space<hbm>> -> memref<1x80x128xi32, #tpu.memory_space<hbm>>
      %dma_start3A_15 = tpu.memref_squeeze %dma_start3A_14 : memref<1x80x128xi32, #tpu.memory_space<hbm>> -> memref<80x128xi32, #tpu.memory_space<hbm>>
      tpu.enqueue_dma source(%dma_start3A_15 : memref<80x128xi32, #tpu.memory_space<hbm>>) target(%arg8 : memref<80x128xi32, #tpu.memory_space<vmem>>) target_semaphore(%run_scoped3A : memref<!tpu.dma_semaphore, #tpu.memory_space<semaphore_mem>>)
      %dma_wait3A = arith.constant 0 : i32
      %dma_wait3A_16 = arith.constant 0 : i32
      %dma_wait3A_17 = tpu.memref_slice %arg4[%add3A, %dma_wait3A, %dma_wait3A_16] : memref<32x80x128xi32, #tpu.memory_space<hbm>> -> memref<1x80x128xi32, #tpu.memory_space<hbm>>
      %dma_wait3A_18 = tpu.memref_squeeze %dma_wait3A_17 : memref<1x80x128xi32, #tpu.memory_space<hbm>> -> memref<80x128xi32, #tpu.memory_space<hbm>>
      %dma_wait3A_19 = arith.constant 0 : i32
      %dma_wait3A_20 = arith.constant 0 : i32
      %dma_wait3A_21 = tpu.memref_slice %arg4[%add3A, %dma_wait3A_19, %dma_wait3A_20] : memref<32x80x128xi32, #tpu.memory_space<hbm>> -> memref<1x80x128xi32, #tpu.memory_space<hbm>>
      %dma_wait3A_22 = tpu.memref_squeeze %dma_wait3A_21 : memref<1x80x128xi32, #tpu.memory_space<hbm>> -> memref<80x128xi32, #tpu.memory_space<hbm>>
      tpu.wait_dma2 semaphore(%run_scoped3A : memref<!tpu.dma_semaphore, #tpu.memory_space<semaphore_mem>>) src(%dma_wait3A_22 : memref<80x128xi32, #tpu.memory_space<hbm>>) dst(%arg8 : memref<80x128xi32, #tpu.memory_space<vmem>>)
      tpu.yield
    }) : () -> ()
    %barrier3A = arith.constant 0 : index
    tpu.barrier barrier_id(%barrier3A)
    %scan3A = arith.constant 0 : i32
    %scan3A_3 = arith.constant 0 : i32
    %scan3A_4 = arith.constant 80 : i32
    %scan3A_5 = arith.addi %scan3A_3, %scan3A_4 : i32
    %scan3A_6 = arith.constant 1 : i32
    scf.for %scan3A_9 = %scan3A_3 to %scan3A_5 step %scan3A_6  : i32 {
      %dma_start3A = arith.constant 0 : i32
      %dma_start3A_10 = tpu.memref_slice %arg7[%scan3A_9, %dma_start3A] : memref<80x128xi32, #tpu.memory_space<vmem>> -> memref<1x128xi32, #tpu.memory_space<vmem>>
      %dma_start3A_11 = tpu.memref_squeeze %dma_start3A_10 : memref<1x128xi32, #tpu.memory_space<vmem>> -> memref<128xi32, #tpu.memory_space<vmem>>
      %dma_start3A_12 = arith.constant 0 : i32
      %dma_start3A_13 = arith.constant 0 : i32
      %dma_start3A_14 = tpu.memref_slice %arg2[%dma_start3A_12, %dma_start3A_13] : memref<10240x128xf32, #tpu.memory_space<hbm>> -> memref<10240x128xf32, #tpu.memory_space<hbm>>
      tpu.enqueue_indirect_dma source(%dma_start3A_14 : memref<10240x128xf32, #tpu.memory_space<hbm>>) target(%arg9 : memref<128x128xf32, #tpu.memory_space<vmem>>) offsets(%dma_start3A_11 : memref<128xi32, #tpu.memory_space<vmem>>) semaphore(%arg11 : memref<!tpu.dma_semaphore, #tpu.memory_space<semaphore_mem>>)
      %dma_wait3A = arith.constant 0 : i32
      %dma_wait3A_15 = tpu.memref_slice %arg7[%scan3A_9, %dma_wait3A] : memref<80x128xi32, #tpu.memory_space<vmem>> -> memref<1x128xi32, #tpu.memory_space<vmem>>
      %dma_wait3A_16 = tpu.memref_squeeze %dma_wait3A_15 : memref<1x128xi32, #tpu.memory_space<vmem>> -> memref<128xi32, #tpu.memory_space<vmem>>
      %dma_wait3A_17 = arith.constant 0 : i32
      %dma_wait3A_18 = arith.constant 0 : i32
      %dma_wait3A_19 = tpu.memref_slice %arg2[%dma_wait3A_17, %dma_wait3A_18] : memref<10240x128xf32, #tpu.memory_space<hbm>> -> memref<10240x128xf32, #tpu.memory_space<hbm>>
      tpu.wait_indirect_dma semaphore(%arg11 : memref<!tpu.dma_semaphore, #tpu.memory_space<semaphore_mem>>) src(%dma_wait3A_19 : memref<10240x128xf32, #tpu.memory_space<hbm>>) dst(%arg9 : memref<128x128xf32, #tpu.memory_space<vmem>>)
      "tpu.region"() ({
        %run_scoped3A = tpu.sem_alloc : memref<!tpu.dma_semaphore, #tpu.memory_space<semaphore_mem>>
        %dma_start3A_20 = arith.constant 0 : i32
        %dma_start3A_21 = tpu.memref_slice %arg8[%scan3A_9, %dma_start3A_20] : memref<80x128xi32, #tpu.memory_space<vmem>> -> memref<1x128xi32, #tpu.memory_space<vmem>>
        %dma_start3A_22 = tpu.memref_squeeze %dma_start3A_21 : memref<1x128xi32, #tpu.memory_space<vmem>> -> memref<128xi32, #tpu.memory_space<vmem>>
        %dma_start3A_23 = arith.constant 0 : i32
        %dma_start3A_24 = arith.constant 0 : i32
        %dma_start3A_25 = tpu.memref_slice %arg10[%dma_start3A_23, %dma_start3A_24] : memref<10240x128xf32, #tpu.memory_space<vmem_shared>> -> memref<10240x128xf32, #tpu.memory_space<vmem_shared>>
        tpu.enqueue_indirect_dma source(%arg9 : memref<128x128xf32, #tpu.memory_space<vmem>>) target(%dma_start3A_25 : memref<10240x128xf32, #tpu.memory_space<vmem_shared>>) offsets(%dma_start3A_22 : memref<128xi32, #tpu.memory_space<vmem>>) semaphore(%run_scoped3A : memref<!tpu.dma_semaphore, #tpu.memory_space<semaphore_mem>>) {add = true}
        %dma_wait3A_26 = arith.constant 0 : i32
        %dma_wait3A_27 = tpu.memref_slice %arg8[%scan3A_9, %dma_wait3A_26] : memref<80x128xi32, #tpu.memory_space<vmem>> -> memref<1x128xi32, #tpu.memory_space<vmem>>
        %dma_wait3A_28 = tpu.memref_squeeze %dma_wait3A_27 : memref<1x128xi32, #tpu.memory_space<vmem>> -> memref<128xi32, #tpu.memory_space<vmem>>
        %dma_wait3A_29 = arith.constant 0 : i32
        %dma_wait3A_30 = arith.constant 0 : i32
        %dma_wait3A_31 = tpu.memref_slice %arg10[%dma_wait3A_29, %dma_wait3A_30] : memref<10240x128xf32, #tpu.memory_space<vmem_shared>> -> memref<10240x128xf32, #tpu.memory_space<vmem_shared>>
        tpu.wait_indirect_dma semaphore(%run_scoped3A : memref<!tpu.dma_semaphore, #tpu.memory_space<semaphore_mem>>) src(%arg9 : memref<128x128xf32, #tpu.memory_space<vmem>>) dst(%dma_wait3A_31 : memref<10240x128xf32, #tpu.memory_space<vmem_shared>>)
        tpu.yield
      }) : () -> ()
    }
    %scan3A_7 = arith.constant 80 : i32
    %barrier3A_8 = arith.constant 0 : index
    tpu.barrier barrier_id(%barrier3A_8)
    "tpu.region"() ({
      %run_scoped3A = tpu.sem_alloc : memref<!tpu.dma_semaphore, #tpu.memory_space<semaphore_mem>>
      %dma_start3A = arith.constant 0 : i32
      %dma_start3A_9 = tpu.memref_slice %arg6[%arg0, %mul3A_2, %dma_start3A] : memref<2x10240x128xf32, #tpu.memory_space<hbm>> -> memref<1x640x128xf32, #tpu.memory_space<hbm>>
      %dma_start3A_10 = tpu.memref_squeeze %dma_start3A_9 : memref<1x640x128xf32, #tpu.memory_space<hbm>> -> memref<640x128xf32, #tpu.memory_space<hbm>>
      %dma_start3A_11 = arith.constant 0 : i32
      %dma_start3A_12 = tpu.memref_slice %arg10[%mul3A_2, %dma_start3A_11] : memref<10240x128xf32, #tpu.memory_space<vmem_shared>> -> memref<640x128xf32, #tpu.memory_space<vmem_shared>>
      tpu.enqueue_dma source(%dma_start3A_12 : memref<640x128xf32, #tpu.memory_space<vmem_shared>>) target(%dma_start3A_10 : memref<640x128xf32, #tpu.memory_space<hbm>>) target_semaphore(%run_scoped3A : memref<!tpu.dma_semaphore, #tpu.memory_space<semaphore_mem>>)
      %dma_wait3A = arith.constant 0 : i32
      %dma_wait3A_13 = tpu.memref_slice %arg6[%arg0, %mul3A_2, %dma_wait3A] : memref<2x10240x128xf32, #tpu.memory_space<hbm>> -> memref<1x640x128xf32, #tpu.memory_space<hbm>>
      %dma_wait3A_14 = tpu.memref_squeeze %dma_wait3A_13 : memref<1x640x128xf32, #tpu.memory_space<hbm>> -> memref<640x128xf32, #tpu.memory_space<hbm>>
      %dma_wait3A_15 = arith.constant 0 : i32
      %dma_wait3A_16 = tpu.memref_slice %arg10[%mul3A_2, %dma_wait3A_15] : memref<10240x128xf32, #tpu.memory_space<vmem_shared>> -> memref<640x128xf32, #tpu.memory_space<vmem_shared>>
      tpu.wait_dma2 semaphore(%run_scoped3A : memref<!tpu.dma_semaphore, #tpu.memory_space<semaphore_mem>>) src(%dma_wait3A_16 : memref<640x128xf32, #tpu.memory_space<vmem_shared>>) dst(%dma_wait3A_14 : memref<640x128xf32, #tpu.memory_space<hbm>>)
      tpu.yield
    }) : () -> ()
    return
  }
}

#map = affine_map<(d0, d1) -> (0, 0)>
#map1 = affine_map<(d0, d1) -> (0, 0, 0)>
module attributes {stable_mosaic.version = 14 : i64} {
  func.func @_sc_edge_body(%arg0: i32, %arg1: i32, %arg2: memref<10240x128xf32, #tpu.memory_space<hbm>>, %arg3: memref<32x80x128xi32, #tpu.memory_space<hbm>>, %arg4: memref<32x80x128xi32, #tpu.memory_space<hbm>>, %arg5: memref<10240x128xf32, #tpu.memory_space<hbm>>, %arg6: memref<2x10240x128xf32, #tpu.memory_space<hbm>>, %arg7: memref<80x128xi32, #tpu.memory_space<vmem>>, %arg8: memref<80x128xi32, #tpu.memory_space<vmem>>, %arg9: memref<128x128xf32, #tpu.memory_space<vmem>>, %arg10: memref<10240x128xf32, #tpu.memory_space<vmem_shared>>, %arg11: memref<!tpu.dma_semaphore, #tpu.memory_space<semaphore_mem>>) attributes {dimension_semantics = [#tpu.dimension_semantics<core_parallel>, #tpu.dimension_semantics<subcore_parallel>], iteration_bounds = array<i64: 2, 16>, scalar_prefetch = 0 : i64, scratch_operands = 5 : i64, tpu.core_type = #tpu.core_type<sc_vector_subcore>, window_params = [{transform_indices = #map}, {transform_indices = #map1}, {transform_indices = #map1}, {transform_indices = #map}, {transform_indices = #map1}]} {
    %mul3A = arith.constant 2 : i32
    %mul3A_0 = arith.muli %arg1, %mul3A : i32
    %add3A = arith.addi %mul3A_0, %arg0 : i32
    %mul3A_1 = arith.constant 640 : i32
    %mul3A_2 = arith.muli %arg1, %mul3A_1 : i32
    "tpu.region"() ({
      %run_scoped3A = tpu.sem_alloc : memref<!tpu.dma_semaphore, #tpu.memory_space<semaphore_mem>>
      %dma_start3A = arith.constant 0 : i32
      %dma_start3A_9 = tpu.memref_slice %arg10[%mul3A_2, %dma_start3A] : memref<10240x128xf32, #tpu.memory_space<vmem_shared>> -> memref<640x128xf32, #tpu.memory_space<vmem_shared>>
      %dma_start3A_10 = arith.constant 0 : i32
      %dma_start3A_11 = tpu.memref_slice %arg5[%mul3A_2, %dma_start3A_10] : memref<10240x128xf32, #tpu.memory_space<hbm>> -> memref<640x128xf32, #tpu.memory_space<hbm>>
      tpu.enqueue_dma source(%dma_start3A_11 : memref<640x128xf32, #tpu.memory_space<hbm>>) target(%dma_start3A_9 : memref<640x128xf32, #tpu.memory_space<vmem_shared>>) target_semaphore(%run_scoped3A : memref<!tpu.dma_semaphore, #tpu.memory_space<semaphore_mem>>)
      %dma_wait3A = arith.constant 0 : i32
      %dma_wait3A_12 = tpu.memref_slice %arg10[%mul3A_2, %dma_wait3A] : memref<10240x128xf32, #tpu.memory_space<vmem_shared>> -> memref<640x128xf32, #tpu.memory_space<vmem_shared>>
      %dma_wait3A_13 = arith.constant 0 : i32
      %dma_wait3A_14 = tpu.memref_slice %arg5[%mul3A_2, %dma_wait3A_13] : memref<10240x128xf32, #tpu.memory_space<hbm>> -> memref<640x128xf32, #tpu.memory_space<hbm>>
      tpu.wait_dma2 semaphore(%run_scoped3A : memref<!tpu.dma_semaphore, #tpu.memory_space<semaphore_mem>>) src(%dma_wait3A_14 : memref<640x128xf32, #tpu.memory_space<hbm>>) dst(%dma_wait3A_12 : memref<640x128xf32, #tpu.memory_space<vmem_shared>>)
      tpu.yield
    }) : () -> ()
    "tpu.region"() ({
      %run_scoped3A = tpu.sem_alloc : memref<!tpu.dma_semaphore, #tpu.memory_space<semaphore_mem>>
      %dma_start3A = arith.constant 0 : i32
      %dma_start3A_9 = arith.constant 0 : i32
      %dma_start3A_10 = tpu.memref_slice %arg3[%add3A, %dma_start3A, %dma_start3A_9] : memref<32x80x128xi32, #tpu.memory_space<hbm>> -> memref<1x80x128xi32, #tpu.memory_space<hbm>>
      %dma_start3A_11 = tpu.memref_squeeze %dma_start3A_10 : memref<1x80x128xi32, #tpu.memory_space<hbm>> -> memref<80x128xi32, #tpu.memory_space<hbm>>
      %dma_start3A_12 = arith.constant 0 : i32
      %dma_start3A_13 = arith.constant 0 : i32
      %dma_start3A_14 = tpu.memref_slice %arg3[%add3A, %dma_start3A_12, %dma_start3A_13] : memref<32x80x128xi32, #tpu.memory_space<hbm>> -> memref<1x80x128xi32, #tpu.memory_space<hbm>>
      %dma_start3A_15 = tpu.memref_squeeze %dma_start3A_14 : memref<1x80x128xi32, #tpu.memory_space<hbm>> -> memref<80x128xi32, #tpu.memory_space<hbm>>
      tpu.enqueue_dma source(%dma_start3A_15 : memref<80x128xi32, #tpu.memory_space<hbm>>) target(%arg7 : memref<80x128xi32, #tpu.memory_space<vmem>>) target_semaphore(%run_scoped3A : memref<!tpu.dma_semaphore, #tpu.memory_space<semaphore_mem>>)
      %dma_wait3A = arith.constant 0 : i32
      %dma_wait3A_16 = arith.constant 0 : i32
      %dma_wait3A_17 = tpu.memref_slice %arg3[%add3A, %dma_wait3A, %dma_wait3A_16] : memref<32x80x128xi32, #tpu.memory_space<hbm>> -> memref<1x80x128xi32, #tpu.memory_space<hbm>>
      %dma_wait3A_18 = tpu.memref_squeeze %dma_wait3A_17 : memref<1x80x128xi32, #tpu.memory_space<hbm>> -> memref<80x128xi32, #tpu.memory_space<hbm>>
      %dma_wait3A_19 = arith.constant 0 : i32
      %dma_wait3A_20 = arith.constant 0 : i32
      %dma_wait3A_21 = tpu.memref_slice %arg3[%add3A, %dma_wait3A_19, %dma_wait3A_20] : memref<32x80x128xi32, #tpu.memory_space<hbm>> -> memref<1x80x128xi32, #tpu.memory_space<hbm>>
      %dma_wait3A_22 = tpu.memref_squeeze %dma_wait3A_21 : memref<1x80x128xi32, #tpu.memory_space<hbm>> -> memref<80x128xi32, #tpu.memory_space<hbm>>
      tpu.wait_dma2 semaphore(%run_scoped3A : memref<!tpu.dma_semaphore, #tpu.memory_space<semaphore_mem>>) src(%dma_wait3A_22 : memref<80x128xi32, #tpu.memory_space<hbm>>) dst(%arg7 : memref<80x128xi32, #tpu.memory_space<vmem>>)
      tpu.yield
    }) : () -> ()
    "tpu.region"() ({
      %run_scoped3A = tpu.sem_alloc : memref<!tpu.dma_semaphore, #tpu.memory_space<semaphore_mem>>
      %dma_start3A = arith.constant 0 : i32
      %dma_start3A_9 = arith.constant 0 : i32
      %dma_start3A_10 = tpu.memref_slice %arg4[%add3A, %dma_start3A, %dma_start3A_9] : memref<32x80x128xi32, #tpu.memory_space<hbm>> -> memref<1x80x128xi32, #tpu.memory_space<hbm>>
      %dma_start3A_11 = tpu.memref_squeeze %dma_start3A_10 : memref<1x80x128xi32, #tpu.memory_space<hbm>> -> memref<80x128xi32, #tpu.memory_space<hbm>>
      %dma_start3A_12 = arith.constant 0 : i32
      %dma_start3A_13 = arith.constant 0 : i32
      %dma_start3A_14 = tpu.memref_slice %arg4[%add3A, %dma_start3A_12, %dma_start3A_13] : memref<32x80x128xi32, #tpu.memory_space<hbm>> -> memref<1x80x128xi32, #tpu.memory_space<hbm>>
      %dma_start3A_15 = tpu.memref_squeeze %dma_start3A_14 : memref<1x80x128xi32, #tpu.memory_space<hbm>> -> memref<80x128xi32, #tpu.memory_space<hbm>>
      tpu.enqueue_dma source(%dma_start3A_15 : memref<80x128xi32, #tpu.memory_space<hbm>>) target(%arg8 : memref<80x128xi32, #tpu.memory_space<vmem>>) target_semaphore(%run_scoped3A : memref<!tpu.dma_semaphore, #tpu.memory_space<semaphore_mem>>)
      %dma_wait3A = arith.constant 0 : i32
      %dma_wait3A_16 = arith.constant 0 : i32
      %dma_wait3A_17 = tpu.memref_slice %arg4[%add3A, %dma_wait3A, %dma_wait3A_16] : memref<32x80x128xi32, #tpu.memory_space<hbm>> -> memref<1x80x128xi32, #tpu.memory_space<hbm>>
      %dma_wait3A_18 = tpu.memref_squeeze %dma_wait3A_17 : memref<1x80x128xi32, #tpu.memory_space<hbm>> -> memref<80x128xi32, #tpu.memory_space<hbm>>
      %dma_wait3A_19 = arith.constant 0 : i32
      %dma_wait3A_20 = arith.constant 0 : i32
      %dma_wait3A_21 = tpu.memref_slice %arg4[%add3A, %dma_wait3A_19, %dma_wait3A_20] : memref<32x80x128xi32, #tpu.memory_space<hbm>> -> memref<1x80x128xi32, #tpu.memory_space<hbm>>
      %dma_wait3A_22 = tpu.memref_squeeze %dma_wait3A_21 : memref<1x80x128xi32, #tpu.memory_space<hbm>> -> memref<80x128xi32, #tpu.memory_space<hbm>>
      tpu.wait_dma2 semaphore(%run_scoped3A : memref<!tpu.dma_semaphore, #tpu.memory_space<semaphore_mem>>) src(%dma_wait3A_22 : memref<80x128xi32, #tpu.memory_space<hbm>>) dst(%arg8 : memref<80x128xi32, #tpu.memory_space<vmem>>)
      tpu.yield
    }) : () -> ()
    %barrier3A = arith.constant 0 : index
    tpu.barrier barrier_id(%barrier3A)
    %scan3A = arith.constant 0 : i32
    %scan3A_3 = arith.constant 0 : i32
    %scan3A_4 = arith.constant 80 : i32
    %scan3A_5 = arith.addi %scan3A_3, %scan3A_4 : i32
    %scan3A_6 = arith.constant 1 : i32
    scf.for %scan3A_9 = %scan3A_3 to %scan3A_5 step %scan3A_6  : i32 {
      %dma_start3A = arith.constant 0 : i32
      %dma_start3A_10 = tpu.memref_slice %arg7[%scan3A_9, %dma_start3A] : memref<80x128xi32, #tpu.memory_space<vmem>> -> memref<1x128xi32, #tpu.memory_space<vmem>>
      %dma_start3A_11 = tpu.memref_squeeze %dma_start3A_10 : memref<1x128xi32, #tpu.memory_space<vmem>> -> memref<128xi32, #tpu.memory_space<vmem>>
      %dma_start3A_12 = arith.constant 0 : i32
      %dma_start3A_13 = arith.constant 0 : i32
      %dma_start3A_14 = tpu.memref_slice %arg2[%dma_start3A_12, %dma_start3A_13] : memref<10240x128xf32, #tpu.memory_space<hbm>> -> memref<10240x128xf32, #tpu.memory_space<hbm>>
      tpu.enqueue_indirect_dma source(%dma_start3A_14 : memref<10240x128xf32, #tpu.memory_space<hbm>>) target(%arg9 : memref<128x128xf32, #tpu.memory_space<vmem>>) offsets(%dma_start3A_11 : memref<128xi32, #tpu.memory_space<vmem>>) semaphore(%arg11 : memref<!tpu.dma_semaphore, #tpu.memory_space<semaphore_mem>>)
      %dma_wait3A = arith.constant 0 : i32
      %dma_wait3A_15 = tpu.memref_slice %arg7[%scan3A_9, %dma_wait3A] : memref<80x128xi32, #tpu.memory_space<vmem>> -> memref<1x128xi32, #tpu.memory_space<vmem>>
      %dma_wait3A_16 = tpu.memref_squeeze %dma_wait3A_15 : memref<1x128xi32, #tpu.memory_space<vmem>> -> memref<128xi32, #tpu.memory_space<vmem>>
      %dma_wait3A_17 = arith.constant 0 : i32
      %dma_wait3A_18 = arith.constant 0 : i32
      %dma_wait3A_19 = tpu.memref_slice %arg2[%dma_wait3A_17, %dma_wait3A_18] : memref<10240x128xf32, #tpu.memory_space<hbm>> -> memref<10240x128xf32, #tpu.memory_space<hbm>>
      tpu.wait_indirect_dma semaphore(%arg11 : memref<!tpu.dma_semaphore, #tpu.memory_space<semaphore_mem>>) src(%dma_wait3A_19 : memref<10240x128xf32, #tpu.memory_space<hbm>>) dst(%arg9 : memref<128x128xf32, #tpu.memory_space<vmem>>)
      "tpu.region"() ({
        %run_scoped3A = tpu.sem_alloc : memref<!tpu.dma_semaphore, #tpu.memory_space<semaphore_mem>>
        %dma_start3A_20 = arith.constant 0 : i32
        %dma_start3A_21 = tpu.memref_slice %arg8[%scan3A_9, %dma_start3A_20] : memref<80x128xi32, #tpu.memory_space<vmem>> -> memref<1x128xi32, #tpu.memory_space<vmem>>
        %dma_start3A_22 = tpu.memref_squeeze %dma_start3A_21 : memref<1x128xi32, #tpu.memory_space<vmem>> -> memref<128xi32, #tpu.memory_space<vmem>>
        %dma_start3A_23 = arith.constant 0 : i32
        %dma_start3A_24 = arith.constant 0 : i32
        %dma_start3A_25 = tpu.memref_slice %arg10[%dma_start3A_23, %dma_start3A_24] : memref<10240x128xf32, #tpu.memory_space<vmem_shared>> -> memref<10240x128xf32, #tpu.memory_space<vmem_shared>>
        tpu.enqueue_indirect_dma source(%arg9 : memref<128x128xf32, #tpu.memory_space<vmem>>) target(%dma_start3A_25 : memref<10240x128xf32, #tpu.memory_space<vmem_shared>>) offsets(%dma_start3A_22 : memref<128xi32, #tpu.memory_space<vmem>>) semaphore(%run_scoped3A : memref<!tpu.dma_semaphore, #tpu.memory_space<semaphore_mem>>) {add = true}
        %dma_wait3A_26 = arith.constant 0 : i32
        %dma_wait3A_27 = tpu.memref_slice %arg8[%scan3A_9, %dma_wait3A_26] : memref<80x128xi32, #tpu.memory_space<vmem>> -> memref<1x128xi32, #tpu.memory_space<vmem>>
        %dma_wait3A_28 = tpu.memref_squeeze %dma_wait3A_27 : memref<1x128xi32, #tpu.memory_space<vmem>> -> memref<128xi32, #tpu.memory_space<vmem>>
        %dma_wait3A_29 = arith.constant 0 : i32
        %dma_wait3A_30 = arith.constant 0 : i32
        %dma_wait3A_31 = tpu.memref_slice %arg10[%dma_wait3A_29, %dma_wait3A_30] : memref<10240x128xf32, #tpu.memory_space<vmem_shared>> -> memref<10240x128xf32, #tpu.memory_space<vmem_shared>>
        tpu.wait_indirect_dma semaphore(%run_scoped3A : memref<!tpu.dma_semaphore, #tpu.memory_space<semaphore_mem>>) src(%arg9 : memref<128x128xf32, #tpu.memory_space<vmem>>) dst(%dma_wait3A_31 : memref<10240x128xf32, #tpu.memory_space<vmem_shared>>)
        tpu.yield
      }) : () -> ()
    }
    %scan3A_7 = arith.constant 80 : i32
    %barrier3A_8 = arith.constant 0 : index
    tpu.barrier barrier_id(%barrier3A_8)
    "tpu.region"() ({
      %run_scoped3A = tpu.sem_alloc : memref<!tpu.dma_semaphore, #tpu.memory_space<semaphore_mem>>
      %dma_start3A = arith.constant 0 : i32
      %dma_start3A_9 = tpu.memref_slice %arg6[%arg0, %mul3A_2, %dma_start3A] : memref<2x10240x128xf32, #tpu.memory_space<hbm>> -> memref<1x640x128xf32, #tpu.memory_space<hbm>>
      %dma_start3A_10 = tpu.memref_squeeze %dma_start3A_9 : memref<1x640x128xf32, #tpu.memory_space<hbm>> -> memref<640x128xf32, #tpu.memory_space<hbm>>
      %dma_start3A_11 = arith.constant 0 : i32
      %dma_start3A_12 = tpu.memref_slice %arg10[%mul3A_2, %dma_start3A_11] : memref<10240x128xf32, #tpu.memory_space<vmem_shared>> -> memref<640x128xf32, #tpu.memory_space<vmem_shared>>
      tpu.enqueue_dma source(%dma_start3A_12 : memref<640x128xf32, #tpu.memory_space<vmem_shared>>) target(%dma_start3A_10 : memref<640x128xf32, #tpu.memory_space<hbm>>) target_semaphore(%run_scoped3A : memref<!tpu.dma_semaphore, #tpu.memory_space<semaphore_mem>>)
      %dma_wait3A = arith.constant 0 : i32
      %dma_wait3A_13 = tpu.memref_slice %arg6[%arg0, %mul3A_2, %dma_wait3A] : memref<2x10240x128xf32, #tpu.memory_space<hbm>> -> memref<1x640x128xf32, #tpu.memory_space<hbm>>
      %dma_wait3A_14 = tpu.memref_squeeze %dma_wait3A_13 : memref<1x640x128xf32, #tpu.memory_space<hbm>> -> memref<640x128xf32, #tpu.memory_space<hbm>>
      %dma_wait3A_15 = arith.constant 0 : i32
      %dma_wait3A_16 = tpu.memref_slice %arg10[%mul3A_2, %dma_wait3A_15] : memref<10240x128xf32, #tpu.memory_space<vmem_shared>> -> memref<640x128xf32, #tpu.memory_space<vmem_shared>>
      tpu.wait_dma2 semaphore(%run_scoped3A : memref<!tpu.dma_semaphore, #tpu.memory_space<semaphore_mem>>) src(%dma_wait3A_16 : memref<640x128xf32, #tpu.memory_space<vmem_shared>>) dst(%dma_wait3A_14 : memref<640x128xf32, #tpu.memory_space<hbm>>)
      tpu.yield
    }) : () -> ()
    return
  }
}

module attributes {stable_mosaic.version = 14 : i64} {
  func.func @_tc_xw0_body(%arg0: memref<10240x128xf32, #tpu.memory_space<vmem>>, %arg1: memref<128x128xf32, #tpu.memory_space<vmem>>, %arg2: memref<10240x128xf32, #tpu.memory_space<vmem>>) attributes {dimension_semantics = [], scalar_prefetch = 0 : i64, scratch_operands = 0 : i64, tpu.core_type = #tpu.core_type<tc>} {
    %get3A = arith.constant 0 : index
    %get3A_0 = arith.constant 0 : index
    %get3A_1 = vector.load %arg0[%get3A, %get3A_0] : memref<10240x128xf32, #tpu.memory_space<vmem>>, vector<10240x128xf32>
    %get3A_2 = arith.constant 0 : index
    %get3A_3 = arith.constant 0 : index
    %get3A_4 = vector.load %arg1[%get3A_2, %get3A_3] : memref<128x128xf32, #tpu.memory_space<vmem>>, vector<128x128xf32>
    %dot_general3A = arith.constant dense<0.000000e+00> : vector<10240x128xf32>
    %dot_general3A_5 = tpu.matmul %get3A_1, %get3A_4, %dot_general3A {dimension_numbers = #tpu.dot_dimension_numbers<[1], [0], [0], [1], [0, 0, 1, 1], [], []>, transpose_lhs_hint = false} : vector<10240x128xf32>, vector<128x128xf32>, vector<10240x128xf32> -> vector<10240x128xf32>
    %swap3A = arith.constant 0 : index
    %swap3A_6 = arith.constant 0 : index
    %swap3A_7 = vector.load %arg2[%swap3A, %swap3A_6] : memref<10240x128xf32, #tpu.memory_space<vmem>>, vector<10240x128xf32>
    tpu.vector_store %arg2[%swap3A, %swap3A_6], %dot_general3A_5 {strides = array<i32>} : memref<10240x128xf32, #tpu.memory_space<vmem>>, vector<10240x128xf32>,
    return
  }
}

module attributes {stable_mosaic.version = 14 : i64} {
  func.func @_tc_prep_body(%arg0: memref<10240x2xf32, #tpu.memory_space<vmem>>, %arg1: memref<10240x128xf32, #tpu.memory_space<vmem>>, %arg2: memref<10240x1xf32, #tpu.memory_space<vmem>>, %arg3: memref<10240x128xf32, #tpu.memory_space<vmem>>) attributes {dimension_semantics = [], scalar_prefetch = 0 : i64, scratch_operands = 0 : i64, tpu.core_type = #tpu.core_type<tc>} {
    %get3A = arith.constant 0 : index
    %get3A_0 = arith.constant 0 : index
    %get3A_1 = vector.load %arg0[%get3A, %get3A_0] : memref<10240x2xf32, #tpu.memory_space<vmem>>, vector<10240x1xf32>
    %get3A_2 = arith.constant 0 : index
    %get3A_3 = arith.constant 1 : index
    %get3A_4 = vector.load %arg0[%get3A_2, %get3A_3] : memref<10240x2xf32, #tpu.memory_space<vmem>>, vector<10240x1xf32>
    %add3A = arith.addf %get3A_1, %get3A_4 : vector<10240x1xf32>
    %add3A_5 = arith.constant 1.000000e+00 : f32
    %add3A_6 = vector.broadcast %add3A_5 : f32 to vector<10240x1xf32>
    %add3A_7 = arith.addf %add3A, %add3A_6 : vector<10240x1xf32>
    %gt3A = arith.constant 0.000000e+00 : f32
    %gt3A_8 = vector.broadcast %gt3A : f32 to vector<10240x1xf32>
    %gt3A_9 = arith.cmpf ogt, %add3A_7, %gt3A_8 : vector<10240x1xf32>
    %rsqrt3A = math.rsqrt %add3A_7 : vector<10240x1xf32>
    %jit3A = arith.constant 0.000000e+00 : f32
    %broadcast_in_dim3A = vector.broadcast %jit3A : f32 to vector<10240x1xf32>
    %select_n3A = arith.select %gt3A_9, %rsqrt3A, %broadcast_in_dim3A : vector<10240x1xi1>, vector<10240x1xf32>
    %swap3A = arith.constant 0 : index
    %swap3A_10 = arith.constant 0 : index
    %swap3A_11 = vector.load %arg2[%swap3A, %swap3A_10] : memref<10240x1xf32, #tpu.memory_space<vmem>>, vector<10240x1xf32>
    tpu.vector_store %arg2[%swap3A, %swap3A_10], %select_n3A {strides = array<i32>} : memref<10240x1xf32, #tpu.memory_space<vmem>>, vector<10240x1xf32>,
    %get3A_12 = arith.constant 0 : index
    %get3A_13 = arith.constant 0 : index
    %get3A_14 = vector.load %arg1[%get3A_12, %get3A_13] : memref<10240x128xf32, #tpu.memory_space<vmem>>, vector<10240x128xf32>
    %mul3A = vector.broadcast %select_n3A : vector<10240x1xf32> to vector<10240x128xf32>
    %mul3A_15 = arith.mulf %get3A_14, %mul3A : vector<10240x128xf32>
    %swap3A_16 = arith.constant 0 : index
    %swap3A_17 = arith.constant 0 : index
    %swap3A_18 = vector.load %arg3[%swap3A_16, %swap3A_17] : memref<10240x128xf32, #tpu.memory_space<vmem>>, vector<10240x128xf32>
    tpu.vector_store %arg3[%swap3A_16, %swap3A_17], %mul3A_15 {strides = array<i32>} : memref<10240x128xf32, #tpu.memory_space<vmem>>, vector<10240x128xf32>,
    return
  }
}

module attributes {stable_mosaic.version = 14 : i64} {
  func.func @_tc_mid_body(%arg0: memref<2x10240x128xf32, #tpu.memory_space<vmem>>, %arg1: memref<10240x128xf32, #tpu.memory_space<vmem>>, %arg2: memref<10240x1xf32, #tpu.memory_space<vmem>>, %arg3: memref<1x128xf32, #tpu.memory_space<vmem>>, %arg4: memref<1x128xf32, #tpu.memory_space<vmem>>, %arg5: memref<1x128xf32, #tpu.memory_space<vmem>>, %arg6: memref<128x128xf32, #tpu.memory_space<vmem>>, %arg7: memref<10240x128xf32, #tpu.memory_space<vmem>>) attributes {dimension_semantics = [], scalar_prefetch = 0 : i64, scratch_operands = 0 : i64, tpu.core_type = #tpu.core_type<tc>} {
    %get3A = arith.constant 0 : index
    %get3A_0 = arith.constant 0 : index
    %get3A_1 = arith.constant 0 : index
    %get3A_2 = vector.load %arg0[%get3A, %get3A_0, %get3A_1] : memref<2x10240x128xf32, #tpu.memory_space<vmem>>, vector<1x10240x128xf32>
    %get3A_3 = vector.shape_cast %get3A_2 : vector<1x10240x128xf32> to vector<10240x128xf32>
    %get3A_4 = arith.constant 1 : index
    %get3A_5 = arith.constant 0 : index
    %get3A_6 = arith.constant 0 : index
    %get3A_7 = vector.load %arg0[%get3A_4, %get3A_5, %get3A_6] : memref<2x10240x128xf32, #tpu.memory_space<vmem>>, vector<1x10240x128xf32>
    %get3A_8 = vector.shape_cast %get3A_7 : vector<1x10240x128xf32> to vector<10240x128xf32>
    %add3A = arith.addf %get3A_3, %get3A_8 : vector<10240x128xf32>
    %get3A_9 = arith.constant 0 : index
    %get3A_10 = arith.constant 0 : index
    %get3A_11 = vector.load %arg1[%get3A_9, %get3A_10] : memref<10240x128xf32, #tpu.memory_space<vmem>>, vector<10240x128xf32>
    %add3A_12 = arith.addf %add3A, %get3A_11 : vector<10240x128xf32>
    %get3A_13 = arith.constant 0 : index
    %get3A_14 = arith.constant 0 : index
    %get3A_15 = vector.load %arg2[%get3A_13, %get3A_14] : memref<10240x1xf32, #tpu.memory_space<vmem>>, vector<10240x1xf32>
    %mul3A = vector.broadcast %get3A_15 : vector<10240x1xf32> to vector<10240x128xf32>
    %mul3A_16 = arith.mulf %add3A_12, %mul3A : vector<10240x128xf32>
    %get3A_17 = arith.constant 0 : index
    %get3A_18 = arith.constant 0 : index
    %get3A_19 = vector.load %arg3[%get3A_17, %get3A_18] : memref<1x128xf32, #tpu.memory_space<vmem>>, vector<1x128xf32>
    %add3A_20 = vector.broadcast %get3A_19 : vector<1x128xf32> to vector<10240x128xf32>
    %add3A_21 = arith.addf %mul3A_16, %add3A_20 : vector<10240x128xf32>
    %get3A_22 = arith.constant 0 : index
    %get3A_23 = arith.constant 0 : index
    %get3A_24 = vector.load %arg4[%get3A_22, %get3A_23] : memref<1x128xf32, #tpu.memory_space<vmem>>, vector<1x128xf32>
    %get3A_25 = arith.constant 0 : index
    %get3A_26 = arith.constant 0 : index
    %get3A_27 = vector.load %arg5[%get3A_25, %get3A_26] : memref<1x128xf32, #tpu.memory_space<vmem>>, vector<1x128xf32>
    %iota3A = tpu.iota {dimensions = array<i32: 0>} : vector<10240x1xi32>
    %lt3A = arith.constant 10000 : i32
    %lt3A_28 = vector.broadcast %lt3A : i32 to vector<10240x1xi32>
    %lt3A_29 = arith.cmpi slt, %iota3A, %lt3A_28 : vector<10240x1xi32>
    %jit3A = arith.constant 0.000000e+00 : f32
    %broadcast_in_dim3A = vector.shape_cast %lt3A_29 : vector<10240x1xi1> to vector<10240x1xi1>
    %broadcast_in_dim3A_30 = vector.broadcast %broadcast_in_dim3A : vector<10240x1xi1> to vector<10240x128xi1>
    %broadcast_in_dim3A_31 = vector.broadcast %jit3A : f32 to vector<10240x128xf32>
    %select_n3A = arith.select %broadcast_in_dim3A_30, %add3A_21, %broadcast_in_dim3A_31 : vector<10240x128xi1>, vector<10240x128xf32>
    %reduce_sum3A = arith.constant dense<0.000000e+00> : vector<128xf32>
    %reduce_sum3A_32 = vector.multi_reduction <add>, %select_n3A, %reduce_sum3A [0] : vector<10240x128xf32> to vector<128xf32>
    %broadcast_in_dim3A_33 = vector.shape_cast %reduce_sum3A_32 : vector<128xf32> to vector<1x128xf32>
    %div3A = arith.constant 1.000000e+04 : f32
    %div3A_34 = vector.broadcast %div3A : f32 to vector<1x128xf32>
    %div3A_35 = arith.divf %broadcast_in_dim3A_33, %div3A_34 : vector<1x128xf32>
    %sub3A = vector.broadcast %div3A_35 : vector<1x128xf32> to vector<10240x128xf32>
    %sub3A_36 = arith.subf %add3A_21, %sub3A : vector<10240x128xf32>
    %jit3A_37 = arith.constant 0.000000e+00 : f32
    %broadcast_in_dim3A_38 = vector.shape_cast %lt3A_29 : vector<10240x1xi1> to vector<10240x1xi1>
    %broadcast_in_dim3A_39 = vector.broadcast %broadcast_in_dim3A_38 : vector<10240x1xi1> to vector<10240x128xi1>
    %broadcast_in_dim3A_40 = vector.broadcast %jit3A_37 : f32 to vector<10240x128xf32>
    %select_n3A_41 = arith.select %broadcast_in_dim3A_39, %sub3A_36, %broadcast_in_dim3A_40 : vector<10240x128xi1>, vector<10240x128xf32>
    %mul3A_42 = arith.mulf %select_n3A_41, %select_n3A_41 : vector<10240x128xf32>
    %reduce_sum3A_43 = arith.constant dense<0.000000e+00> : vector<128xf32>
    %reduce_sum3A_44 = vector.multi_reduction <add>, %mul3A_42, %reduce_sum3A_43 [0] : vector<10240x128xf32> to vector<128xf32>
    %broadcast_in_dim3A_45 = vector.shape_cast %reduce_sum3A_44 : vector<128xf32> to vector<1x128xf32>
    %div3A_46 = arith.constant 1.000000e+04 : f32
    %div3A_47 = vector.broadcast %div3A_46 : f32 to vector<1x128xf32>
    %div3A_48 = arith.divf %broadcast_in_dim3A_45, %div3A_47 : vector<1x128xf32>
    %sub3A_49 = vector.broadcast %div3A_35 : vector<1x128xf32> to vector<10240x128xf32>
    %sub3A_50 = arith.subf %add3A_21, %sub3A_49 : vector<10240x128xf32>
    %add3A_51 = arith.constant 9.99999974E-6 : f32
    %add3A_52 = vector.broadcast %add3A_51 : f32 to vector<1x128xf32>
    %add3A_53 = arith.addf %div3A_48, %add3A_52 : vector<1x128xf32>
    %rsqrt3A = math.rsqrt %add3A_53 : vector<1x128xf32>
    %mul3A_54 = vector.broadcast %rsqrt3A : vector<1x128xf32> to vector<10240x128xf32>
    %mul3A_55 = arith.mulf %sub3A_50, %mul3A_54 : vector<10240x128xf32>
    %mul3A_56 = vector.broadcast %get3A_24 : vector<1x128xf32> to vector<10240x128xf32>
    %mul3A_57 = arith.mulf %mul3A_55, %mul3A_56 : vector<10240x128xf32>
    %add3A_58 = vector.broadcast %get3A_27 : vector<1x128xf32> to vector<10240x128xf32>
    %add3A_59 = arith.addf %mul3A_57, %add3A_58 : vector<10240x128xf32>
    %max3A = arith.constant 0.000000e+00 : f32
    %max3A_60 = vector.broadcast %max3A : f32 to vector<10240x128xf32>
    %max3A_61 = arith.maximumf %add3A_59, %max3A_60 : vector<10240x128xf32>
    %jit3A_62 = arith.constant 0.000000e+00 : f32
    %broadcast_in_dim3A_63 = vector.shape_cast %lt3A_29 : vector<10240x1xi1> to vector<10240x1xi1>
    %broadcast_in_dim3A_64 = vector.broadcast %broadcast_in_dim3A_63 : vector<10240x1xi1> to vector<10240x128xi1>
    %broadcast_in_dim3A_65 = vector.broadcast %jit3A_62 : f32 to vector<10240x128xf32>
    %select_n3A_66 = arith.select %broadcast_in_dim3A_64, %max3A_61, %broadcast_in_dim3A_65 : vector<10240x128xi1>, vector<10240x128xf32>
    %get3A_67 = arith.constant 0 : index
    %get3A_68 = arith.constant 0 : index
    %get3A_69 = vector.load %arg6[%get3A_67, %get3A_68] : memref<128x128xf32, #tpu.memory_space<vmem>>, vector<128x128xf32>
    %dot_general3A = arith.constant dense<0.000000e+00> : vector<10240x128xf32>
    %dot_general3A_70 = tpu.matmul %select_n3A_66, %get3A_69, %dot_general3A {dimension_numbers = #tpu.dot_dimension_numbers<[1], [0], [0], [1], [0, 0, 1, 1], [], []>, transpose_lhs_hint = false} : vector<10240x128xf32>, vector<128x128xf32>, vector<10240x128xf32> -> vector<10240x128xf32>
    %get3A_71 = arith.constant 0 : index
    %get3A_72 = arith.constant 0 : index
    %get3A_73 = vector.load %arg2[%get3A_71, %get3A_72] : memref<10240x1xf32, #tpu.memory_space<vmem>>, vector<10240x1xf32>
    %mul3A_74 = vector.broadcast %get3A_73 : vector<10240x1xf32> to vector<10240x128xf32>
    %mul3A_75 = arith.mulf %dot_general3A_70, %mul3A_74 : vector<10240x128xf32>
    %swap3A = arith.constant 0 : index
    %swap3A_76 = arith.constant 0 : index
    %swap3A_77 = vector.load %arg7[%swap3A, %swap3A_76] : memref<10240x128xf32, #tpu.memory_space<vmem>>, vector<10240x128xf32>
    tpu.vector_store %arg7[%swap3A, %swap3A_76], %mul3A_75 {strides = array<i32>} : memref<10240x128xf32, #tpu.memory_space<vmem>>, vector<10240x128xf32>,
    return
  }
}

module attributes {stable_mosaic.version = 14 : i64} {
  func.func @_tc_final_body(%arg0: memref<2x10240x128xf32, #tpu.memory_space<vmem>>, %arg1: memref<10240x128xf32, #tpu.memory_space<vmem>>, %arg2: memref<10240x1xf32, #tpu.memory_space<vmem>>, %arg3: memref<1x128xf32, #tpu.memory_space<vmem>>, %arg4: memref<1x128xf32, #tpu.memory_space<vmem>>, %arg5: memref<1x128xf32, #tpu.memory_space<vmem>>, %arg6: memref<1x10240xi32, #tpu.memory_space<vmem>>, %arg7: memref<64x16xf32, #tpu.memory_space<vmem>>, %arg8: memref<80x2xf32, #tpu.memory_space<vmem>>, %arg9: memref<1x2xf32, #tpu.memory_space<vmem>>, %arg10: memref<64x2xf32, #tpu.memory_space<vmem>>) attributes {dimension_semantics = [], scalar_prefetch = 0 : i64, scratch_operands = 0 : i64, tpu.core_type = #tpu.core_type<tc>} {
    %get3A = arith.constant 0 : index
    %get3A_0 = arith.constant 0 : index
    %get3A_1 = arith.constant 0 : index
    %get3A_2 = vector.load %arg0[%get3A, %get3A_0, %get3A_1] : memref<2x10240x128xf32, #tpu.memory_space<vmem>>, vector<1x10240x128xf32>
    %get3A_3 = vector.shape_cast %get3A_2 : vector<1x10240x128xf32> to vector<10240x128xf32>
    %get3A_4 = arith.constant 1 : index
    %get3A_5 = arith.constant 0 : index
    %get3A_6 = arith.constant 0 : index
    %get3A_7 = vector.load %arg0[%get3A_4, %get3A_5, %get3A_6] : memref<2x10240x128xf32, #tpu.memory_space<vmem>>, vector<1x10240x128xf32>
    %get3A_8 = vector.shape_cast %get3A_7 : vector<1x10240x128xf32> to vector<10240x128xf32>
    %add3A = arith.addf %get3A_3, %get3A_8 : vector<10240x128xf32>
    %get3A_9 = arith.constant 0 : index
    %get3A_10 = arith.constant 0 : index
    %get3A_11 = vector.load %arg1[%get3A_9, %get3A_10] : memref<10240x128xf32, #tpu.memory_space<vmem>>, vector<10240x128xf32>
    %add3A_12 = arith.addf %add3A, %get3A_11 : vector<10240x128xf32>
    %get3A_13 = arith.constant 0 : index
    %get3A_14 = arith.constant 0 : index
    %get3A_15 = vector.load %arg2[%get3A_13, %get3A_14] : memref<10240x1xf32, #tpu.memory_space<vmem>>, vector<10240x1xf32>
    %mul3A = vector.broadcast %get3A_15 : vector<10240x1xf32> to vector<10240x128xf32>
    %mul3A_16 = arith.mulf %add3A_12, %mul3A : vector<10240x128xf32>
    %get3A_17 = arith.constant 0 : index
    %get3A_18 = arith.constant 0 : index
    %get3A_19 = vector.load %arg3[%get3A_17, %get3A_18] : memref<1x128xf32, #tpu.memory_space<vmem>>, vector<1x128xf32>
    %add3A_20 = vector.broadcast %get3A_19 : vector<1x128xf32> to vector<10240x128xf32>
    %add3A_21 = arith.addf %mul3A_16, %add3A_20 : vector<10240x128xf32>
    %get3A_22 = arith.constant 0 : index
    %get3A_23 = arith.constant 0 : index
    %get3A_24 = vector.load %arg4[%get3A_22, %get3A_23] : memref<1x128xf32, #tpu.memory_space<vmem>>, vector<1x128xf32>
    %get3A_25 = arith.constant 0 : index
    %get3A_26 = arith.constant 0 : index
    %get3A_27 = vector.load %arg5[%get3A_25, %get3A_26] : memref<1x128xf32, #tpu.memory_space<vmem>>, vector<1x128xf32>
    %iota3A = tpu.iota {dimensions = array<i32: 0>} : vector<10240x1xi32>
    %lt3A = arith.constant 10000 : i32
    %lt3A_28 = vector.broadcast %lt3A : i32 to vector<10240x1xi32>
    %lt3A_29 = arith.cmpi slt, %iota3A, %lt3A_28 : vector<10240x1xi32>
    %jit3A = arith.constant 0.000000e+00 : f32
    %broadcast_in_dim3A = vector.shape_cast %lt3A_29 : vector<10240x1xi1> to vector<10240x1xi1>
    %broadcast_in_dim3A_30 = vector.broadcast %broadcast_in_dim3A : vector<10240x1xi1> to vector<10240x128xi1>
    %broadcast_in_dim3A_31 = vector.broadcast %jit3A : f32 to vector<10240x128xf32>
    %select_n3A = arith.select %broadcast_in_dim3A_30, %add3A_21, %broadcast_in_dim3A_31 : vector<10240x128xi1>, vector<10240x128xf32>
    %reduce_sum3A = arith.constant dense<0.000000e+00> : vector<128xf32>
    %reduce_sum3A_32 = vector.multi_reduction <add>, %select_n3A, %reduce_sum3A [0] : vector<10240x128xf32> to vector<128xf32>
    %broadcast_in_dim3A_33 = vector.shape_cast %reduce_sum3A_32 : vector<128xf32> to vector<1x128xf32>
    %div3A = arith.constant 1.000000e+04 : f32
    %div3A_34 = vector.broadcast %div3A : f32 to vector<1x128xf32>
    %div3A_35 = arith.divf %broadcast_in_dim3A_33, %div3A_34 : vector<1x128xf32>
    %sub3A = vector.broadcast %div3A_35 : vector<1x128xf32> to vector<10240x128xf32>
    %sub3A_36 = arith.subf %add3A_21, %sub3A : vector<10240x128xf32>
    %jit3A_37 = arith.constant 0.000000e+00 : f32
    %broadcast_in_dim3A_38 = vector.shape_cast %lt3A_29 : vector<10240x1xi1> to vector<10240x1xi1>
    %broadcast_in_dim3A_39 = vector.broadcast %broadcast_in_dim3A_38 : vector<10240x1xi1> to vector<10240x128xi1>
    %broadcast_in_dim3A_40 = vector.broadcast %jit3A_37 : f32 to vector<10240x128xf32>
    %select_n3A_41 = arith.select %broadcast_in_dim3A_39, %sub3A_36, %broadcast_in_dim3A_40 : vector<10240x128xi1>, vector<10240x128xf32>
    %mul3A_42 = arith.mulf %select_n3A_41, %select_n3A_41 : vector<10240x128xf32>
    %reduce_sum3A_43 = arith.constant dense<0.000000e+00> : vector<128xf32>
    %reduce_sum3A_44 = vector.multi_reduction <add>, %mul3A_42, %reduce_sum3A_43 [0] : vector<10240x128xf32> to vector<128xf32>
    %broadcast_in_dim3A_45 = vector.shape_cast %reduce_sum3A_44 : vector<128xf32> to vector<1x128xf32>
    %div3A_46 = arith.constant 1.000000e+04 : f32
    %div3A_47 = vector.broadcast %div3A_46 : f32 to vector<1x128xf32>
    %div3A_48 = arith.divf %broadcast_in_dim3A_45, %div3A_47 : vector<1x128xf32>
    %sub3A_49 = vector.broadcast %div3A_35 : vector<1x128xf32> to vector<10240x128xf32>
    %sub3A_50 = arith.subf %add3A_21, %sub3A_49 : vector<10240x128xf32>
    %add3A_51 = arith.constant 9.99999974E-6 : f32
    %add3A_52 = vector.broadcast %add3A_51 : f32 to vector<1x128xf32>
    %add3A_53 = arith.addf %div3A_48, %add3A_52 : vector<1x128xf32>
    %rsqrt3A = math.rsqrt %add3A_53 : vector<1x128xf32>
    %mul3A_54 = vector.broadcast %rsqrt3A : vector<1x128xf32> to vector<10240x128xf32>
    %mul3A_55 = arith.mulf %sub3A_50, %mul3A_54 : vector<10240x128xf32>
    %mul3A_56 = vector.broadcast %get3A_24 : vector<1x128xf32> to vector<10240x128xf32>
    %mul3A_57 = arith.mulf %mul3A_55, %mul3A_56 : vector<10240x128xf32>
    %add3A_58 = vector.broadcast %get3A_27 : vector<1x128xf32> to vector<10240x128xf32>
    %add3A_59 = arith.addf %mul3A_57, %add3A_58 : vector<10240x128xf32>
    %max3A = arith.constant 0.000000e+00 : f32
    %max3A_60 = vector.broadcast %max3A : f32 to vector<10240x128xf32>
    %max3A_61 = arith.maximumf %add3A_59, %max3A_60 : vector<10240x128xf32>
    %jit3A_62 = arith.constant 0.000000e+00 : f32
    %broadcast_in_dim3A_63 = vector.shape_cast %lt3A_29 : vector<10240x1xi1> to vector<10240x1xi1>
    %broadcast_in_dim3A_64 = vector.broadcast %broadcast_in_dim3A_63 : vector<10240x1xi1> to vector<10240x128xi1>
    %broadcast_in_dim3A_65 = vector.broadcast %jit3A_62 : f32 to vector<10240x128xf32>
    %select_n3A_66 = arith.select %broadcast_in_dim3A_64, %max3A_61, %broadcast_in_dim3A_65 : vector<10240x128xi1>, vector<10240x128xf32>
    %iota3A_67 = tpu.iota {dimensions = array<i32: 0>} : vector<64x10240xi32>
    %get3A_68 = arith.constant 0 : index
    %get3A_69 = arith.constant 0 : index
    %get3A_70 = vector.load %arg6[%get3A_68, %get3A_69] : memref<1x10240xi32, #tpu.memory_space<vmem>>, vector<1x10240xi32>
    %eq3A = vector.broadcast %get3A_70 : vector<1x10240xi32> to vector<64x10240xi32>
    %eq3A_71 = arith.cmpi eq, %iota3A_67, %eq3A : vector<64x10240xi32>
    %convert_element_type3A = arith.extui %eq3A_71 : vector<64x10240xi1> to vector<64x10240xi32>
    %convert_element_type3A_72 = arith.sitofp %convert_element_type3A : vector<64x10240xi32> to vector<64x10240xf32>
    %dot_general3A = arith.constant dense<0.000000e+00> : vector<64x128xf32>
    %dot_general3A_73 = tpu.matmul %convert_element_type3A_72, %select_n3A_66, %dot_general3A {dimension_numbers = #tpu.dot_dimension_numbers<[1], [0], [0], [1], [0, 0, 1, 1], [], []>, transpose_lhs_hint = false} : vector<64x10240xf32>, vector<10240x128xf32>, vector<64x128xf32> -> vector<64x128xf32>
    %reduce_sum3A_74 = arith.constant dense<0.000000e+00> : vector<64xf32>
    %reduce_sum3A_75 = vector.multi_reduction <add>, %convert_element_type3A_72, %reduce_sum3A_74 [1] : vector<64x10240xf32> to vector<64xf32>
    %broadcast_in_dim3A_76 = vector.shape_cast %reduce_sum3A_75 : vector<64xf32> to vector<64x1xf32>
    %max3A_77 = arith.constant 1.000000e+00 : f32
    %max3A_78 = vector.broadcast %max3A_77 : f32 to vector<64x1xf32>
    %max3A_79 = arith.maximumf %broadcast_in_dim3A_76, %max3A_78 : vector<64x1xf32>
    %div3A_80 = vector.broadcast %max3A_79 : vector<64x1xf32> to vector<64x128xf32>
    %div3A_81 = arith.divf %dot_general3A_73, %div3A_80 : vector<64x128xf32>
    %slice3A = vector.extract_strided_slice %div3A_81 {offsets = [0, 0], sizes = [64, 64], strides = [1, 1]} : vector<64x128xf32> to vector<64x64xf32>
    %get3A_82 = arith.constant 0 : index
    %get3A_83 = arith.constant 0 : index
    %get3A_84 = vector.load %arg7[%get3A_82, %get3A_83] : memref<64x16xf32, #tpu.memory_space<vmem>>, vector<64x16xf32>
    %concatenate3A = tpu.concatenate %slice3A, %get3A_84 in 1 : vector<64x64xf32>, vector<64x16xf32> -> vector<64x80xf32>
    %get3A_85 = arith.constant 0 : index
    %get3A_86 = arith.constant 0 : index
    %get3A_87 = vector.load %arg8[%get3A_85, %get3A_86] : memref<80x2xf32, #tpu.memory_space<vmem>>, vector<80x2xf32>
    %dot_general3A_88 = arith.constant dense<0.000000e+00> : vector<64x2xf32>
    %dot_general3A_89 = tpu.matmul %concatenate3A, %get3A_87, %dot_general3A_88 {dimension_numbers = #tpu.dot_dimension_numbers<[1], [0], [0], [1], [0, 0, 1, 1], [], []>, transpose_lhs_hint = false} : vector<64x80xf32>, vector<80x2xf32>, vector<64x2xf32> -> vector<64x2xf32>
    %get3A_90 = arith.constant 0 : index
    %get3A_91 = arith.constant 0 : index
    %get3A_92 = vector.load %arg9[%get3A_90, %get3A_91] : memref<1x2xf32, #tpu.memory_space<vmem>>, vector<1x2xf32>
    %add3A_93 = vector.broadcast %get3A_92 : vector<1x2xf32> to vector<64x2xf32>
    %add3A_94 = arith.addf %dot_general3A_89, %add3A_93 : vector<64x2xf32>
    %swap3A = arith.constant 0 : index
    %swap3A_95 = arith.constant 0 : index
    %swap3A_96 = vector.load %arg10[%swap3A, %swap3A_95] : memref<64x2xf32, #tpu.memory_space<vmem>>, vector<64x2xf32>
    tpu.vector_store %arg10[%swap3A, %swap3A_95], %add3A_94 {strides = array<i32>} : memref<64x2xf32, #tpu.memory_space<vmem>>, vector<64x2xf32>,
    return
  }
}

</mosaic_0001>

<sc_bundles>
// kernel: kernel.11.cloned.1.call-start
scs
__scs_entry_jumppad:
0x0: {  	(pc) =	sbr.rel $0x88, $3  }
0x1: {  	(tag) =	ssettag $0x0;
	lr =	simm.s32 $0x1  }
0x2: {  	[smem:$0x3F8F] =	sst lr;
	_ =	strace $0xD0000000  }
0x3: {  	_ = 	snop  }
0x4: {  	_ = 	snop  }
0x5: {  	_ = 	snop  }
0x6: {  	_ = 	snop  }
0x7: {  	_ = 	snop  }
__scs_overlays_trampoline_lowered:
0x8: {  	[smem:$0x3F9E] =	sst s0  }
0x9: {  	[smem:$0x3F9F] =	sst s1  }
0xa: {  	[smem:$0x3FA0] =	sst s2  }
0xb: {  	[smem:$0x3FA1] =	sst s3  }
0xc: {  	[smem:$0x3FA2] =	sst s4  }
0xd: {  	[smem:$0x3FA3] =	sst s5  }
0xe: {  	[smem:$0x3FA4] =	sst s6  }
0xf: {  	[smem:$0x3FA5] =	sst s7  }
0x10: {  	[smem:$0x3FA6] =	sst s8  }
0x11: {  	[smem:$0x3FA7] =	sst s9;
	s0 =	simm.s32 @!p0 $0x0  }
0x12: {  	s1 =	sld [smem:$0x3F8D];
	s0 =	simm.s32 @p0 $0x1  }
0x13: {  	[smem:$0x3FA8] =	sst s0;
	s0 =	simm.s32 @!p1 $0x0  }
0x14: {  	s2 =	sld [smem:$0x3F8C];
	s0 =	simm.s32 @p1 $0x1  }
0x15: {  	[smem:$0x3FA9] =	sst s0;
	s0 =	simm.s32 @!p2 $0x0  }
0x16: {  	s3 =	sld [smem:$0x3FDB];
	s0 =	simm.s32 @p2 $0x1  }
0x17: {  	s4 =	simm.s32 $0x1BF5;
	[smem:$0x3FAB] =	sst s0  }
0x18: {  	s0 =	sld [smem:$0x3F8E];
	_ =	swait.ge [sflag:s4], $0x0  }
0x19: {  	s7 =	sld [smem:$0x3F8F]  }
0x1a: {  	s8 =	sadd.s32 $0xFFFFE003, lr  }
0x1b: {  	s9 =	sadd.s32 $0xFFFFFEF7, lr;
	s5 =	simm.s32 $0xFFFFFFFF;
	p2 =	slt.u32 s8, $0xFFFFF086  }
0x1c: {  	p1 =	slt.u32 s9, $0xF7A;
	s5 =	simm.s32 @!p2 $0x0  }
0x1d: {  	s5 =	simm.s32 @p1 $0x1;
	p0 =	seq.s32 s7, s2  }
0x1e: {  	s7 =	smul.u32 @!p0 $0xF7A, s2;
	p2 =	seq.s32 @!p0 s5, $0x0  }
0x1f: {  	s9 =	smul.u32 $0xF7A, s1;
	s8 =	simm.s32 @!p0 $0x1BF5;
	p2 =	por !p2, p0  }
0x20: {  	[sflag:s8] =	ssyncset.s32 @!p0 $0xFFFFF086;
	s6 =	sadd.s32 @!p0 s3, s7;
	s7 =	simm.s32 @!p0 $0x108  }
0x21: {  	s3 =	sadd.s32 s3, s9;
	s6 =	sadd.s32 @!p0 $0x88, s6;
	s7 =	simm.s32 @p2 $0x1082  }
0x22: {  	[simem:s7], [sflag:s8] =	dma.local @!p0 [hbm:s6], $0xF7A  }
0x23: {  	s9 =	sor.u32 $0xD0000000, s2;
	s6 =	simm.s32 $0x108;
	_ =	swait.ge @!p0 [sflag:s8], $0x0  }
0x24: {  	s3 =	sadd.s32 $0x88, s3;
	s6 =	simm.s32 @!p1 $0x1082;
	[sflag:s4] =	ssyncset.s32 $0xFFFFF086  }
0x25: {  	[simem:s6], [sflag:s4] =	dma.local [hbm:s3], $0xF7A  }
0x26: {  	[smem:$0x3F8F] =	sst s1;
	(tag) =	ssettag s2;
	_ =	strace s9  }
0x27: {  	s1 =	sld [smem:$0x3F9F]  }
0x28: {  	s2 =	sld [smem:$0x3FA0]  }
0x29: {  	s4 =	sld [smem:$0x3FA2]  }
0x2a: {  	p0 =	seq.s32 s5, $0x0;
	s5 =	sld [smem:$0x3FA3]  }
0x2b: {  	s6 =	sld [smem:$0x3FA4]  }
0x2c: {  	s7 =	sld [smem:$0x3FA5]  }
0x2d: {  	s3 =	simm.s32 $0x108;
	s8 =	sld [smem:$0x3FA6]  }
0x2e: {  	s3 =	simm.s32 @!p0 $0x1082;
	s9 =	sld [smem:$0x3FA7]  }
0x2f: {  	lr =	sadd.s32 s0, s3;
	s0 =	sld [smem:$0x3F9E]  }
0x30: {  	s3 =	sld [smem:$0x3FA1]  }
0x31: {  	[smem:$0x3FAA] =	sst s10  }
0x32: {  	s10 =	sld [smem:$0x3FA8];
	_ =	sdelay $0x3  }
0x33: {  	p0 =	seq.s32 s10, $0x1;
	s10 =	sld [smem:$0x3FAA];
	_ =	sdelay $0x3  }
0x34: {  	[smem:$0x3FAA] =	sst s10  }
0x35: {  	s10 =	sld [smem:$0x3FA9];
	_ =	sdelay $0x3  }
0x36: {  	p1 =	seq.s32 s10, $0x1;
	s10 =	sld [smem:$0x3FAA];
	_ =	sdelay $0x3  }
0x37: {  	[smem:$0x3FAA] =	sst s10  }
0x38: {  	s10 =	sld [smem:$0x3FAB]  }
0x39: {  	_ = 	snop;
	(pc) =	sbr.ind lr, $3  }
0x3a: {  	_ = 	snop  }
0x3b: {  	_ = 	snop  }
0x3c: {  	p2 =	seq.s32 s10, $0x1;
	s10 =	sld [smem:$0x3FAA]  }
0x3d: {  	_ =	shalt  }
0x3e: {  	_ =	shalt  }
0x3f: {  	_ =	shalt  }
0x40: {  	_ =	shalt  }
0x41: {  	_ =	shalt  }
0x42: {  	_ =	shalt  }
0x43: {  	_ =	shalt  }
0x44: {  	_ =	shalt  }
0x45: {  	_ =	shalt  }
0x46: {  	_ =	shalt  }
0x47: {  	_ =	shalt  }
0x48: {  	_ =	shalt  }
0x49: {  	_ =	shalt  }
0x4a: {  	_ =	shalt  }
0x4b: {  	_ =	shalt  }
0x4c: {  	_ =	shalt  }
0x4d: {  	_ =	shalt  }
0x4e: {  	_ =	shalt  }
0x4f: {  	_ =	shalt  }
0x50: {  	_ =	shalt  }
0x51: {  	_ =	shalt  }
0x52: {  	_ =	shalt  }
0x53: {  	_ =	shalt  }
0x54: {  	_ =	shalt  }
0x55: {  	_ =	shalt  }
0x56: {  	_ =	shalt  }
0x57: {  	_ =	shalt  }
0x58: {  	_ =	shalt  }
0x59: {  	_ =	shalt  }
0x5a: {  	_ =	shalt  }
0x5b: {  	_ =	shalt  }
0x5c: {  	_ =	shalt  }
0x5d: {  	_ =	shalt  }
0x5e: {  	_ =	shalt  }
0x5f: {  	_ =	shalt  }
0x60: {  	_ =	shalt  }
0x61: {  	_ =	shalt  }
0x62: {  	_ =	shalt  }
0x63: {  	_ =	shalt  }
0x64: {  	_ =	shalt  }
0x65: {  	_ =	shalt  }
0x66: {  	_ =	shalt  }
0x67: {  	_ =	shalt  }
0x68: {  	_ =	shalt  }
0x69: {  	_ =	shalt  }
0x6a: {  	_ =	shalt  }
0x6b: {  	_ =	shalt  }
0x6c: {  	_ =	shalt  }
0x6d: {  	_ =	shalt  }
0x6e: {  	_ =	shalt  }
0x6f: {  	_ =	shalt  }
0x70: {  	_ =	shalt  }
0x71: {  	_ =	shalt  }
0x72: {  	_ =	shalt  }
0x73: {  	_ =	shalt  }
0x74: {  	_ =	shalt  }
0x75: {  	_ =	shalt  }
0x76: {  	_ =	shalt  }
0x77: {  	_ =	shalt  }
0x78: {  	_ =	shalt  }
0x79: {  	_ =	shalt  }
0x7a: {  	_ =	shalt  }
0x7b: {  	_ =	shalt  }
0x7c: {  	_ =	shalt  }
0x7d: {  	_ =	shalt  }
0x7e: {  	_ =	shalt  }
0x7f: {  	_ =	shalt  }
0x80: {  	_ =	shalt  }
0x81: {  	_ =	shalt  }
0x82: {  	_ =	shalt  }
0x83: {  	_ =	shalt  }
0x84: {  	_ =	shalt  }
0x85: {  	_ =	shalt  }
0x86: {  	_ =	shalt  }
0x87: {  	_ =	shalt  }
.Lfunc_end0:
.L_simem_size_0:
called_computation_lowered:
.L_overlay_start_0:
0x88: {  	s2 =	sld [smem:$0x3FD9]  }
0x89: {  	s3 =	sld [smem:$0x3FFE];
	_ =	sdelay $0x1  }
0x8a: {  	s1 =	srdreg.scid  }
0x8b: {  	s0 =	sand.u32 $0x1, s1  }
0x8c: {  	s16 =	sshll.u32 s0, $0xA;
	s2 =	sadd.s32 s3, s2  }
0x8d: {  	s2 =	sadd.s32 s2, s16  }
0x8e: {  	[smem:$0x3FB6] =	sst s2  }
0x8f: {  	_ = 	snop  }
0x90: {  	(tm) =	ssettm $0x1  }
0x91: {  	s17 =	sld [smem:$0x3FFB];
	_ =	sdelay $0x3  }
0x92: {  	_ =	strace s17  }
0x93: {  	s2 =	sld [smem:$0x3FFC];
	_ =	sdelay $0x3  }
0x94: {  	_ =	strace s2  }
0x95: {  	s2 =	sld [smem:$0x3FFD];
	_ =	sdelay $0x3  }
0x96: {  	_ =	strace s2  }
0x97: {  	_ =	strace $0x8FFFFFFF  }
0x98: {  	s18 =	sld [smem:$0x3FDB];
	_ =	sdelay $0x1  }
0x99: {  	s19 =	simm.s32 $_scs_section_size  }
0x9a: {  	s4 =	simm.s32 $_size__tile_overlayer_lowered;
	s5 =	simm.s32 $_tile_overlayer_lowered  }
0x9b: {  	s22 =	simm.s32 $0x1BFF;
	s21 =	sshll.u32 s5, $0x1;
	s2 =	sadd.s32 s19, s18  }
0x9c: {  	s6 =	simm.s32 $0x0;
	s20 =	sshll.u32 s4, $0x1;
	s4 =	sadd.s32 s21, s2  }
0x9d: {  	[timem:s6], [sflag:s22] =	dma.local [hbm:s4], s20  }
0x9e: {  	_ =	swait.ge [sflag:s22], s20  }
0x9f: {  	s3 =	ssub.s32 $0x0, s20;
	[sflag:s22] =	ssyncset.done $0x0  }
0xa0: {  	[sflag:s22] =	ssyncadd.s32 s3;
	_ =	sdelay $0x1  }
0xa1: {  	s23 =	simm.s32 $0x1B8B  }
0xa2: {  	_ =	swait.ge [sflag:s23], $0x1  }
0xa3: {  	[sflag:s23] =	ssyncset.done $0x0  }
0xa4: {  	s25 =	simm.s32 $0x1B8E;
	s24 =	sld [smem:$0x3FFE];
	[sflag:s23] =	ssyncadd.s32 $0xFFFFFFFF  }
0xa5: {  	s26 =	simm.s32 $execute0_lowered;
	[smem:$0x3FD2] =	sst s25  }
0xa6: {  	s4 =	sshll.u32 s26, $0x1;
	_ =	strace $0x80000046;
	[dreg:$0x1] =	wrdreg $0xFFFFFFFF  }
0xa7: {  	s28 =	simm.s32 $_size_execute0_lowered;
	s2 =	sadd.s32 s2, s4;
	[dreg:$0x0] =	wrdreg $0x0  }
0xa8: {  	s4 =	sshll.u32 s28, $0x1;
	[dreg:$0x2] =	wrdreg s2  }
0xa9: {  	[dreg:$0x3] =	wrdreg s4  }
0xaa: {  	[dreg:$0x4] =	wrdreg $0xC0  }
0xab: {  	_ =	task [dreg:s6], $0x5FFFF  }
0xac: {  	[dreg:$0x1] =	wrdreg $0xFFFFFFFF  }
0xad: {  	[dreg:$0x0] =	wrdreg $0x60  }
0xae: {  	[dreg:$0x2] =	wrdreg s24  }
0xaf: {  	[dreg:$0x3] =	wrdreg $0x28800  }
0xb0: {  	[dreg:$0x4] =	wrdreg $0x9  }
0xb1: {  	_ =	task.clear_ibuf [dreg:s6], $0x5FFFF;
	_ =	strace $0x90000046  }
0xb2: {  	s29 =	simm.s32 $0x9;
	_ =	strace $0x80000048  }
0xb3: {  	_ =	swait.ge [sflag:s29], $0x1  }
0xb4: {  	[sflag:s29] =	ssyncadd.s32 $0xFFFFFFFF  }
0xb5: {  	_ =	strace $0x90000048  }
0xb6: {  	_ =	sfence  }
0xb7: {  	s30 =	sld [smem:$0x0];
	_ =	sdelay $0x2  }
0xb8: {  	s31 =	sshll.u32 s1, $0xD;
	s1 =	sshrl.u32 s1, $0x2  }
0xb9: {  	s3 =	sand.u32 $0x4000, s31;
	s1 =	sadd.s32 s1, s30  }
0xba: {  	s0 =	sor.u32 s3, s0;
	s1 =	sshll.u32 s1, $0x11  }
0xbb: {  	s0 =	sor.u32 s1, s0  }
0xbc: {  	s0 =	sadd.s32 $0x8F2B, s0  }
0xbd: {  	[sflag:s0] =	ssyncadd.remote.s32 $0x1  }
0xbe: {  	_ =	sfence.sel $0xFFFF  }
0xbf: {  	[dreg:$0x0] =	wrdreg $0xFFFFFFFF;
	(pc) =	sbr.abs _section_cstart, $3  }
0xc0: {  	[dreg:$0x1] =	wrdreg $0xFFFFFFFF  }
0xc1: {  	_ =	task.clear_ibuf [dreg:s6], $0x2FFFF;
	_ =	strace $0x9FFFFFFF  }
0xc2: {  	(tm) =	ssettm $0x7FFFFFFF  }
0xc3: {  	_ =	shalt  }
tec
execute0_lowered:
.L_overlay_start_1:
0x0: {  	(tag) =	ssettag $0x1  }
0x1: {  	s1 =	srdreg.scid;
	s5 =	rddreg [dreg:$0x0]  }
0x2: {  	s0 =	stileid.u32;
	s2 =	rddreg [dreg:$0x1];
	s3 =	simm.s32 $0x0  }
0x3: {  	s12 =	simm.s32 $0x2800;
	s13 =	simm.s32 $0x20;
	s14 =	simm.s32 $0x10  }
0x4: {  	s15 =	simm.s32 $0x0;
	s4 =	sand.u32 $0x1, s1;
	s7 =	smul.u32 $0x500, s0  }
0x5: {  	s28 =	sshll.u32 s0, $0x1;
	[smem:$0x7FF] =	sst s3;
	s8 =	smul.u32 $0x280, s0  }
0x6: {  	s31 =	sshll.u32 s0, $0x6;
	s1 =	sor.u32 s4, s28;
	s9 =	sshll.u32 s4, $0x7  }
0x7: {  	s4 =	ssub.s32 $0x2, s4;
	s6 =	smul.u32 $0x500, s1;
	s1 =	rddreg [dreg:$0x2]  }
0x8: {  	_ =	strace $0x80000047;
	s7 =	sor.u32 s9, s7;
	s29 =	sshrl.u32 s8, $0x3  }
0x9: {  	s30 =	sshrl.u32 s4, $0x1;
	s11 =	sadd.s32 s8, s2;
	s7 =	sshrl.u32 s7, $0x3  }
0xa: {  	s9 =	sadd.s32 s29, s5;
	s10 =	ssub.s32 s4, s30;
	s6 =	sadd.s32 s6, s5  }
0xb: {  	s7 =	sadd.s32 s7, s5;
	s4 =	sadd.s32 $0xDC00, s9;
	s5 =	sor.u32 $0x1C01, s31  }
0xc: {  	s8 =	smax.u32 s10, $0x1;
	s9 =	sshrl.u32 s11, $0x3;
	s10 =	simm.s32 $0x1  }
0xd: {  	v0 =	vimm.f32 $1.000000000e+00;
	s11 =	simm.s32 $0x80;
	s6 =	sadd.s32 $0x3C00, s6;
	s7 =	sadd.s32 $0xE200, s7  }
.LBB2_1:
0xe: {  	[spmem:s9], [sflag:s5] =	dma.local [hbm:s4], $0x50  }
0xf: {  	_ =	swait.ge [sflag:s10], $0x50  }
0x10: {  	[sflag:s10] =	ssyncset.done $0x0  }
0x11: {  	[sflag:s10] =	ssyncadd.s32 $0xFFFFFFB0  }
0x12: {  	[tilespmem:s3], [sflag:$0x1] =	stream.linear.gather [hbm4b:s6+s3], $0x2800, $0x38;
	[tilespmem:$0x2B00] =	vst v63  }
0x13: {  	_ =	swait.ge [sflag:s10], $0x2800  }
0x14: {  	[sflag:s10] =	ssyncset.done $0x0  }
0x15: {  	[sflag:s10] =	ssyncadd.s32 $0xFFFFD800  }
0x16: {  	[tilespmem:$0x2800] =	vst v0  }
0x17: {  	[tilespmem:$0x2810] =	vst v0  }
0x18: {  	[tilespmem:$0x2820] =	vst v0  }
0x19: {  	[tilespmem:$0x2830] =	vst v0  }
0x1a: {  	[tilespmem:$0x2840] =	vst v0  }
0x1b: {  	[tilespmem:$0x2850] =	vst v0  }
0x1c: {  	[tilespmem:$0x2860] =	vst v0  }
0x1d: {  	[tilespmem:$0x2870] =	vst v0  }
0x1e: {  	s16 =	simm.s32 $0x0;
	[bflag:$0x0] =	sbarrier.arrive $0xFFFF  }
0x1f: {  	[spmem:s2] =	stream.indirect.scatter.add.f32 [tilespmem:s12], [sflag:$0x1], $0x1, s16, s11, $0xb8;
	[tilespmem:$0x2B00] =	vst v63  }
0x20: {  	_ =	swait.ge [sflag:s10], $0x80  }
0x21: {  	s16 =	simm.s32 $0x200;
	[sflag:s10] =	ssyncset.done $0x0  }
.LBB2_2:
0x22: {  	s17 =	sshra.s32 s16, $0x2;
	[sflag:s10] =	ssyncadd.s32 $0xFFFFFF80;
	p0 =	sne.s32 s16, $0x9E00  }
0x23: {  	[spmem:s2] =	stream.indirect.scatter.add.f32 [tilespmem:s12], [sflag:$0x1], $0x1, s17, s11, $0xb8;
	[tilespmem:$0x2B00] =	vst v63  }
.Ltmp0:
0x24: {  	_ = 	snop;
	(pc) =	sbr.rel @p0 .LBB2_2-.Ltmp0, $4  }
0x25: {  	_ = 	snop  }
0x26: {  	s16 =	sadd.s32 $0x200, s16  }
0x27: {  	_ =	swait.ge [sflag:s10], $0x80  }
0x28: {  	[sflag:s10] =	ssyncset.done $0x0  }
0x29: {  	s15 =	sadd.s32 $0x1, s15  }
0x2a: {  	[sflag:s10] =	ssyncadd.s32 $0xFFFFFF80;
	p0 =	sne.s32 s15, s8  }
.Ltmp1:
0x2b: {  	[bflag:$0x0] =	sbarrier.arrive $0xFFFF;
	(pc) =	sbr.rel @p0 .LBB2_1-.Ltmp1, $4  }
0x2c: {  	[hbm:s7@s13], [sflag:s5] =	dma.strided [spmem:s9@s14], $0x50, s10, $0x10   }
0x2d: {  	_ =	swait.ge [sflag:s10], $0x50  }
0x2e: {  	[sflag:s10] =	ssyncset.done $0x0  }
0x2f: {  	[sflag:s10] =	ssyncadd.s32 $0xFFFFFFB0  }
0x30: {  	_ =	sfence.sel $0x180000  }
0x31: {  	[bflag:$0x0] =	sbarrier.arrive $0xFFFF  }
0x32: {  	p0 =	sne.s32 s0, $0x0;
	_ =	strace $0x90000047  }
0x33: {  	s0 =	sadd.s32 @!p0 $0x100000, s1;
	[bflag:$0x2] =	sbarrier.arrive $0xFFFF  }
0x34: {  	[sflag:s0] =	ssyncadd.tile.s32 @!p0 $0x1;
	_ =	shalt  }
.Lfunc_end2:
_tile_overlayer_lowered:
.L_overlay_start_2:
0x35: {  	(tag) =	ssettag $0x2  }
0x36: {  	s0 =	rddreg [dreg:$0x0];
	s2 =	stileid.u32  }
0x37: {  	s1 =	rddreg [dreg:$0x1];
	p0 =	sne.s32 s2, $0x0  }
0x38: {  	s3 =	rddreg [dreg:$0x2];
	[bflag:$0x3] =	sbarrier.arrive $0xFFFF;
	s2 =	simm.s32 @!p0 $0x1C01  }
0x39: {  	[timem:s3], [sflag:s2] =	dma.local @!p0 [hbm:s0], s1  }
0x3a: {  	s0 =	simm.s32 @!p0 $0x1  }
0x3b: {  	_ =	swait.ge @!p0 [sflag:s0], s1  }
0x3c: {  	s1 =	ssub.s32 @!p0 $0x0, s1;
	[sflag:s0] =	ssyncset.done @!p0 $0x0  }
0x3d: {  	[sflag:s0] =	ssyncadd.s32 @!p0 s1  }
0x3e: {  	[bflag:$0x3] =	sbarrier.arrive $0xFFFF  }
0x3f: {  	_ =	shalt  }

// kernel: kernel.14.cloned.1.call-start
scs
__scs_entry_jumppad:
0x0: {  	(pc) =	sbr.rel $0x88, $3  }
0x1: {  	(tag) =	ssettag $0x0;
	lr =	simm.s32 $0x1  }
0x2: {  	[smem:$0x3F8F] =	sst lr;
	_ =	strace $0xD0000000  }
0x3: {  	_ = 	snop  }
0x4: {  	_ = 	snop  }
0x5: {  	_ = 	snop  }
0x6: {  	_ = 	snop  }
0x7: {  	_ = 	snop  }
__scs_overlays_trampoline_lowered:
0x8: {  	[smem:$0x3F9E] =	sst s0  }
0x9: {  	[smem:$0x3F9F] =	sst s1  }
0xa: {  	[smem:$0x3FA0] =	sst s2  }
0xb: {  	[smem:$0x3FA1] =	sst s3  }
0xc: {  	[smem:$0x3FA2] =	sst s4  }
0xd: {  	[smem:$0x3FA3] =	sst s5  }
0xe: {  	[smem:$0x3FA4] =	sst s6  }
0xf: {  	[smem:$0x3FA5] =	sst s7  }
0x10: {  	[smem:$0x3FA6] =	sst s8  }
0x11: {  	[smem:$0x3FA7] =	sst s9;
	s0 =	simm.s32 @!p0 $0x0  }
0x12: {  	s1 =	sld [smem:$0x3F8D];
	s0 =	simm.s32 @p0 $0x1  }
0x13: {  	[smem:$0x3FA8] =	sst s0;
	s0 =	simm.s32 @!p1 $0x0  }
0x14: {  	s2 =	sld [smem:$0x3F8C];
	s0 =	simm.s32 @p1 $0x1  }
0x15: {  	[smem:$0x3FA9] =	sst s0;
	s0 =	simm.s32 @!p2 $0x0  }
0x16: {  	s3 =	sld [smem:$0x3FDB];
	s0 =	simm.s32 @p2 $0x1  }
0x17: {  	s4 =	simm.s32 $0x1BF5;
	[smem:$0x3FAB] =	sst s0  }
0x18: {  	s0 =	sld [smem:$0x3F8E];
	_ =	swait.ge [sflag:s4], $0x0  }
0x19: {  	s7 =	sld [smem:$0x3F8F]  }
0x1a: {  	s8 =	sadd.s32 $0xFFFFE003, lr  }
0x1b: {  	s9 =	sadd.s32 $0xFFFFFEF7, lr;
	s5 =	simm.s32 $0xFFFFFFFF;
	p2 =	slt.u32 s8, $0xFFFFF086  }
0x1c: {  	p1 =	slt.u32 s9, $0xF7A;
	s5 =	simm.s32 @!p2 $0x0  }
0x1d: {  	s5 =	simm.s32 @p1 $0x1;
	p0 =	seq.s32 s7, s2  }
0x1e: {  	s7 =	smul.u32 @!p0 $0xF7A, s2;
	p2 =	seq.s32 @!p0 s5, $0x0  }
0x1f: {  	s9 =	smul.u32 $0xF7A, s1;
	s8 =	simm.s32 @!p0 $0x1BF5;
	p2 =	por !p2, p0  }
0x20: {  	[sflag:s8] =	ssyncset.s32 @!p0 $0xFFFFF086;
	s6 =	sadd.s32 @!p0 s3, s7;
	s7 =	simm.s32 @!p0 $0x108  }
0x21: {  	s3 =	sadd.s32 s3, s9;
	s6 =	sadd.s32 @!p0 $0x88, s6;
	s7 =	simm.s32 @p2 $0x1082  }
0x22: {  	[simem:s7], [sflag:s8] =	dma.local @!p0 [hbm:s6], $0xF7A  }
0x23: {  	s9 =	sor.u32 $0xD0000000, s2;
	s6 =	simm.s32 $0x108;
	_ =	swait.ge @!p0 [sflag:s8], $0x0  }
0x24: {  	s3 =	sadd.s32 $0x88, s3;
	s6 =	simm.s32 @!p1 $0x1082;
	[sflag:s4] =	ssyncset.s32 $0xFFFFF086  }
0x25: {  	[simem:s6], [sflag:s4] =	dma.local [hbm:s3], $0xF7A  }
0x26: {  	[smem:$0x3F8F] =	sst s1;
	(tag) =	ssettag s2;
	_ =	strace s9  }
0x27: {  	s1 =	sld [smem:$0x3F9F]  }
0x28: {  	s2 =	sld [smem:$0x3FA0]  }
0x29: {  	s4 =	sld [smem:$0x3FA2]  }
0x2a: {  	p0 =	seq.s32 s5, $0x0;
	s5 =	sld [smem:$0x3FA3]  }
0x2b: {  	s6 =	sld [smem:$0x3FA4]  }
0x2c: {  	s7 =	sld [smem:$0x3FA5]  }
0x2d: {  	s3 =	simm.s32 $0x108;
	s8 =	sld [smem:$0x3FA6]  }
0x2e: {  	s3 =	simm.s32 @!p0 $0x1082;
	s9 =	sld [smem:$0x3FA7]  }
0x2f: {  	lr =	sadd.s32 s0, s3;
	s0 =	sld [smem:$0x3F9E]  }
0x30: {  	s3 =	sld [smem:$0x3FA1]  }
0x31: {  	[smem:$0x3FAA] =	sst s10  }
0x32: {  	s10 =	sld [smem:$0x3FA8];
	_ =	sdelay $0x3  }
0x33: {  	p0 =	seq.s32 s10, $0x1;
	s10 =	sld [smem:$0x3FAA];
	_ =	sdelay $0x3  }
0x34: {  	[smem:$0x3FAA] =	sst s10  }
0x35: {  	s10 =	sld [smem:$0x3FA9];
	_ =	sdelay $0x3  }
0x36: {  	p1 =	seq.s32 s10, $0x1;
	s10 =	sld [smem:$0x3FAA];
	_ =	sdelay $0x3  }
0x37: {  	[smem:$0x3FAA] =	sst s10  }
0x38: {  	s10 =	sld [smem:$0x3FAB]  }
0x39: {  	_ = 	snop;
	(pc) =	sbr.ind lr, $3  }
0x3a: {  	_ = 	snop  }
0x3b: {  	_ = 	snop  }
0x3c: {  	p2 =	seq.s32 s10, $0x1;
	s10 =	sld [smem:$0x3FAA]  }
0x3d: {  	_ =	shalt  }
0x3e: {  	_ =	shalt  }
0x3f: {  	_ =	shalt  }
0x40: {  	_ =	shalt  }
0x41: {  	_ =	shalt  }
0x42: {  	_ =	shalt  }
0x43: {  	_ =	shalt  }
0x44: {  	_ =	shalt  }
0x45: {  	_ =	shalt  }
0x46: {  	_ =	shalt  }
0x47: {  	_ =	shalt  }
0x48: {  	_ =	shalt  }
0x49: {  	_ =	shalt  }
0x4a: {  	_ =	shalt  }
0x4b: {  	_ =	shalt  }
0x4c: {  	_ =	shalt  }
0x4d: {  	_ =	shalt  }
0x4e: {  	_ =	shalt  }
0x4f: {  	_ =	shalt  }
0x50: {  	_ =	shalt  }
0x51: {  	_ =	shalt  }
0x52: {  	_ =	shalt  }
0x53: {  	_ =	shalt  }
0x54: {  	_ =	shalt  }
0x55: {  	_ =	shalt  }
0x56: {  	_ =	shalt  }
0x57: {  	_ =	shalt  }
0x58: {  	_ =	shalt  }
0x59: {  	_ =	shalt  }
0x5a: {  	_ =	shalt  }
0x5b: {  	_ =	shalt  }
0x5c: {  	_ =	shalt  }
0x5d: {  	_ =	shalt  }
0x5e: {  	_ =	shalt  }
0x5f: {  	_ =	shalt  }
0x60: {  	_ =	shalt  }
0x61: {  	_ =	shalt  }
0x62: {  	_ =	shalt  }
0x63: {  	_ =	shalt  }
0x64: {  	_ =	shalt  }
0x65: {  	_ =	shalt  }
0x66: {  	_ =	shalt  }
0x67: {  	_ =	shalt  }
0x68: {  	_ =	shalt  }
0x69: {  	_ =	shalt  }
0x6a: {  	_ =	shalt  }
0x6b: {  	_ =	shalt  }
0x6c: {  	_ =	shalt  }
0x6d: {  	_ =	shalt  }
0x6e: {  	_ =	shalt  }
0x6f: {  	_ =	shalt  }
0x70: {  	_ =	shalt  }
0x71: {  	_ =	shalt  }
0x72: {  	_ =	shalt  }
0x73: {  	_ =	shalt  }
0x74: {  	_ =	shalt  }
0x75: {  	_ =	shalt  }
0x76: {  	_ =	shalt  }
0x77: {  	_ =	shalt  }
0x78: {  	_ =	shalt  }
0x79: {  	_ =	shalt  }
0x7a: {  	_ =	shalt  }
0x7b: {  	_ =	shalt  }
0x7c: {  	_ =	shalt  }
0x7d: {  	_ =	shalt  }
0x7e: {  	_ =	shalt  }
0x7f: {  	_ =	shalt  }
0x80: {  	_ =	shalt  }
0x81: {  	_ =	shalt  }
0x82: {  	_ =	shalt  }
0x83: {  	_ =	shalt  }
0x84: {  	_ =	shalt  }
0x85: {  	_ =	shalt  }
0x86: {  	_ =	shalt  }
0x87: {  	_ =	shalt  }
.Lfunc_end0:
.L_simem_size_0:
called_computation.1_lowered:
.L_overlay_start_0:
0x88: {  	s2 =	sld [smem:$0x3FD9]  }
0x89: {  	s3 =	sld [smem:$0x3FFE];
	_ =	sdelay $0x1  }
0x8a: {  	s1 =	srdreg.scid  }
0x8b: {  	s0 =	sand.u32 $0x1, s1  }
0x8c: {  	s16 =	sshll.u32 s0, $0xA;
	s2 =	sadd.s32 s3, s2  }
0x8d: {  	s2 =	sadd.s32 s2, s16  }
0x8e: {  	[smem:$0x3FB6] =	sst s2  }
0x8f: {  	_ = 	snop  }
0x90: {  	(tm) =	ssettm $0x1  }
0x91: {  	s17 =	sld [smem:$0x3FFB];
	_ =	sdelay $0x3  }
0x92: {  	_ =	strace s17  }
0x93: {  	s2 =	sld [smem:$0x3FFC];
	_ =	sdelay $0x3  }
0x94: {  	_ =	strace s2  }
0x95: {  	s2 =	sld [smem:$0x3FFD];
	_ =	sdelay $0x3  }
0x96: {  	_ =	strace s2  }
0x97: {  	_ =	strace $0x8FFFFFFF  }
0x98: {  	s18 =	sld [smem:$0x3FDB];
	_ =	sdelay $0x1  }
0x99: {  	s19 =	simm.s32 $_scs_section_size  }
0x9a: {  	s4 =	simm.s32 $_size__tile_overlayer_lowered;
	s5 =	simm.s32 $_tile_overlayer_lowered  }
0x9b: {  	s22 =	simm.s32 $0x1BFF;
	s21 =	sshll.u32 s5, $0x1;
	s2 =	sadd.s32 s19, s18  }
0x9c: {  	s6 =	simm.s32 $0x0;
	s20 =	sshll.u32 s4, $0x1;
	s4 =	sadd.s32 s21, s2  }
0x9d: {  	[timem:s6], [sflag:s22] =	dma.local [hbm:s4], s20  }
0x9e: {  	_ =	swait.ge [sflag:s22], s20  }
0x9f: {  	s3 =	ssub.s32 $0x0, s20;
	[sflag:s22] =	ssyncset.done $0x0  }
0xa0: {  	[sflag:s22] =	ssyncadd.s32 s3;
	_ =	sdelay $0x1  }
0xa1: {  	s23 =	simm.s32 $0x1B8B  }
0xa2: {  	_ =	swait.ge [sflag:s23], $0x1  }
0xa3: {  	[sflag:s23] =	ssyncset.done $0x0  }
0xa4: {  	s25 =	simm.s32 $0x1B8E;
	s24 =	sld [smem:$0x3FFE];
	[sflag:s23] =	ssyncadd.s32 $0xFFFFFFFF  }
0xa5: {  	s26 =	simm.s32 $execute0_lowered;
	[smem:$0x3FD2] =	sst s25  }
0xa6: {  	s4 =	sshll.u32 s26, $0x1;
	_ =	strace $0x80000049;
	[dreg:$0x1] =	wrdreg $0xFFFFFFFF  }
0xa7: {  	s28 =	simm.s32 $_size_execute0_lowered;
	s2 =	sadd.s32 s2, s4;
	[dreg:$0x0] =	wrdreg $0x0  }
0xa8: {  	s4 =	sshll.u32 s28, $0x1;
	[dreg:$0x2] =	wrdreg s2  }
0xa9: {  	[dreg:$0x3] =	wrdreg s4  }
0xaa: {  	[dreg:$0x4] =	wrdreg $0xC0  }
0xab: {  	_ =	task [dreg:s6], $0x5FFFF  }
0xac: {  	[dreg:$0x1] =	wrdreg $0xFFFFFFFF  }
0xad: {  	[dreg:$0x0] =	wrdreg $0x60  }
0xae: {  	[dreg:$0x2] =	wrdreg s24  }
0xaf: {  	[dreg:$0x3] =	wrdreg $0x90000  }
0xb0: {  	[dreg:$0x4] =	wrdreg $0x9  }
0xb1: {  	_ =	task.clear_ibuf [dreg:s6], $0x5FFFF;
	_ =	strace $0x90000049  }
0xb2: {  	s29 =	simm.s32 $0x9;
	_ =	strace $0x8000004B  }
0xb3: {  	_ =	swait.ge [sflag:s29], $0x1  }
0xb4: {  	[sflag:s29] =	ssyncadd.s32 $0xFFFFFFFF  }
0xb5: {  	_ =	strace $0x9000004B  }
0xb6: {  	_ =	sfence  }
0xb7: {  	s30 =	sld [smem:$0x0];
	_ =	sdelay $0x2  }
0xb8: {  	s31 =	sshll.u32 s1, $0xD;
	s1 =	sshrl.u32 s1, $0x2  }
0xb9: {  	s3 =	sand.u32 $0x4000, s31;
	s1 =	sadd.s32 s1, s30  }
0xba: {  	s0 =	sor.u32 s3, s0;
	s1 =	sshll.u32 s1, $0x11  }
0xbb: {  	s0 =	sor.u32 s1, s0  }
0xbc: {  	s0 =	sadd.s32 $0x8F2B, s0  }
0xbd: {  	[sflag:s0] =	ssyncadd.remote.s32 $0x1  }
0xbe: {  	_ =	sfence.sel $0xFFFF  }
0xbf: {  	[dreg:$0x0] =	wrdreg $0xFFFFFFFF;
	(pc) =	sbr.abs _section_cstart, $3  }
0xc0: {  	[dreg:$0x1] =	wrdreg $0xFFFFFFFF  }
0xc1: {  	_ =	task.clear_ibuf [dreg:s6], $0x2FFFF;
	_ =	strace $0x9FFFFFFF  }
0xc2: {  	(tm) =	ssettm $0x7FFFFFFF  }
0xc3: {  	_ =	shalt  }
tec
execute0_lowered:
.L_overlay_start_1:
0x0: {  	(tag) =	ssettag $0x1  }
0x1: {  	s1 =	srdreg.scid;
	s5 =	rddreg [dreg:$0x0]  }
0x2: {  	s0 =	stileid.u32;
	s2 =	rddreg [dreg:$0x1];
	s3 =	simm.s32 $0x0  }
0x3: {  	s14 =	simm.s32 $0x80;
	s15 =	simm.s32 $0x5000;
	s16 =	simm.s32 $0x1  }
0x4: {  	s17 =	simm.s32 $0x0;
	s6 =	sand.u32 $0x1, s1;
	s1 =	rddreg [dreg:$0x2]  }
0x5: {  	s26 =	sshll.u32 s0, $0x1;
	[smem:$0x7FF] =	sst s3;
	s8 =	smul.u32 $0x14000, s0  }
0x6: {  	s29 =	smul.u32 $0x50000, s0;
	s31 =	sshll.u32 s0, $0x6;
	s4 =	sor.u32 s6, s26  }
0x7: {  	_ =	strace $0x8000004A;
	s9 =	smul.u32 $0x140000, s6;
	s6 =	ssub.s32 $0x2, s6  }
0x8: {  	s7 =	smul.u32 $0x500, s4;
	s4 =	sadd.s32 $0x18C00, s5;
	s28 =	sshrl.u32 s8, $0x3  }
0x9: {  	s11 =	sshrl.u32 s6, $0x1;
	s30 =	sshrl.u32 s29, $0x2;
	s8 =	sadd.s32 s8, s9  }
0xa: {  	s11 =	ssub.s32 s6, s11;
	s13 =	sadd.s32 s30, s2;
	s6 =	sor.u32 $0x1C02, s31  }
0xb: {  	s10 =	sadd.s32 s7, s5;
	s7 =	sadd.s32 s28, s5;
	s8 =	sshrl.u32 s8, $0x3  }
0xc: {  	s12 =	sadd.s32 s8, s5;
	s5 =	sadd.s32 $0x40C00, s7;
	s7 =	sadd.s32 $0xEC00, s10  }
0xd: {  	s8 =	sadd.s32 $0x3C00, s10;
	s10 =	smax.u32 s11, $0x1;
	s11 =	sshrl.u32 s13, $0x3  }
0xe: {  	s13 =	simm.s32 $0x2800;
	s9 =	sadd.s32 $0x68C00, s12;
	s12 =	simm.s32 $0x2  }
.LBB2_1:
0xf: {  	[spmem:s11], [sflag:s6] =	dma.local [hbm:s5], $0x2800  }
0x10: {  	_ =	swait.ge [sflag:s12], $0x2800  }
0x11: {  	[sflag:s12] =	ssyncset.done $0x0  }
0x12: {  	[sflag:s12] =	ssyncadd.s32 $0xFFFFD800  }
0x13: {  	[tilespmem:s3], [sflag:$0x2] =	stream.linear.gather [hbm4b:s7+s3], $0x2800, $0x38;
	[tilespmem:$0x1D000] =	vst v63  }
0x14: {  	_ =	swait.ge [sflag:s12], $0x2800  }
0x15: {  	[sflag:s12] =	ssyncset.done $0x0  }
0x16: {  	[sflag:s12] =	ssyncadd.s32 $0xFFFFD800  }
0x17: {  	[tilespmem:s13], [sflag:$0x2] =	stream.linear.gather [hbm4b:s8+s3], $0x2800, $0x38;
	[tilespmem:$0x1D000] =	vst v63  }
0x18: {  	_ =	swait.ge [sflag:s12], $0x2800  }
0x19: {  	[sflag:s12] =	ssyncset.done $0x0  }
0x1a: {  	[sflag:s12] =	ssyncadd.s32 $0xFFFFD800  }
0x1b: {  	s18 =	simm.s32 $0x0;
	[bflag:$0x0] =	sbarrier.arrive $0xFFFF  }
0x1c: {  	[tilespmem:s15], [sflag:$0x1] =	stream.indirect.gather [hbm4b:s4+s14], $0x80, s18, s14, $0xb8;
	[tilespmem:$0x1D000] =	vst v63  }
0x1d: {  	_ =	swait.ge [sflag:s16], $0x4000  }
0x1e: {  	[sflag:s16] =	ssyncset.done $0x0  }
0x1f: {  	s31 =	simm.s32 $0x2800;
	[sflag:s16] =	ssyncadd.s32 $0xFFFFC000  }
0x20: {  	[spmem:s2] =	stream.indirect.scatter.add.f32 [tilespmem:s15], [sflag:$0x2], $0x80, s31, s14, $0xb8;
	[tilespmem:$0x1D000] =	vst v63  }
0x21: {  	_ =	swait.ge [sflag:s12], $0x4000  }
0x22: {  	s19 =	simm.s32 $0x400;
	s18 =	simm.s32 $0x200;
	[sflag:s12] =	ssyncset.done $0x0  }
.LBB2_2:
0x23: {  	s20 =	sshra.s32 s18, $0x2  }
0x24: {  	[sflag:s12] =	ssyncadd.s32 $0xFFFFC000;
	s18 =	smov.u32 s19;
	s21 =	sadd.s32 $0x200, s19  }
0x25: {  	[tilespmem:s15], [sflag:$0x1] =	stream.indirect.gather [hbm4b:s4+s14], $0x80, s20, s14, $0xb8;
	[tilespmem:$0x1D000] =	vst v63  }
0x26: {  	p0 =	sne.s32 s19, $0x9E00;
	_ =	swait.ge [sflag:s16], $0x4000  }
.Ltmp0:
0x27: {  	[sflag:s16] =	ssyncset.done $0x0;
	(pc) =	sbr.rel @p0 .LBB2_2-.Ltmp0, $4  }
0x28: {  	s19 =	sadd.s32 $0x2800, s20;
	[sflag:s16] =	ssyncadd.s32 $0xFFFFC000  }
0x29: {  	[spmem:s2] =	stream.indirect.scatter.add.f32 [tilespmem:s15], [sflag:$0x2], $0x80, s19, s14, $0xb8;
	[tilespmem:$0x1D000] =	vst v63  }
0x2a: {  	_ =	swait.ge [sflag:s12], $0x4000  }
0x2b: {  	s19 =	smov.u32 s21;
	[sflag:s12] =	ssyncset.done $0x0  }
0x2c: {  	s18 =	sshra.s32 s18, $0x2;
	[sflag:s12] =	ssyncadd.s32 $0xFFFFC000  }
0x2d: {  	[tilespmem:s15], [sflag:$0x1] =	stream.indirect.gather [hbm4b:s4+s14], $0x80, s18, s14, $0xb8;
	[tilespmem:$0x1D000] =	vst v63  }
0x2e: {  	_ =	swait.ge [sflag:s16], $0x4000  }
0x2f: {  	[sflag:s16] =	ssyncset.done $0x0  }
0x30: {  	s18 =	sadd.s32 $0x2800, s18;
	[sflag:s16] =	ssyncadd.s32 $0xFFFFC000  }
0x31: {  	[spmem:s2] =	stream.indirect.scatter.add.f32 [tilespmem:s15], [sflag:$0x2], $0x80, s18, s14, $0xb8;
	[tilespmem:$0x1D000] =	vst v63  }
0x32: {  	_ =	swait.ge [sflag:s12], $0x4000  }
0x33: {  	s17 =	sadd.s32 $0x1, s17;
	[sflag:s12] =	ssyncset.done $0x0  }
0x34: {  	p0 =	sne.s32 s17, s10;
	[sflag:s12] =	ssyncadd.s32 $0xFFFFC000  }
.Ltmp1:
0x35: {  	[bflag:$0x0] =	sbarrier.arrive $0xFFFF;
	(pc) =	sbr.rel @p0 .LBB2_1-.Ltmp1, $4  }
0x36: {  	[hbm:s9], [sflag:s6] =	dma.local [spmem:s11], $0x2800  }
0x37: {  	_ =	swait.ge [sflag:s12], $0x2800  }
0x38: {  	[sflag:s12] =	ssyncset.done $0x0  }
0x39: {  	[sflag:s12] =	ssyncadd.s32 $0xFFFFD800  }
0x3a: {  	_ =	sfence.sel $0x180000  }
0x3b: {  	[bflag:$0x0] =	sbarrier.arrive $0xFFFF  }
0x3c: {  	p0 =	sne.s32 s0, $0x0;
	_ =	strace $0x9000004A  }
0x3d: {  	s0 =	sadd.s32 @!p0 $0x100000, s1;
	[bflag:$0x2] =	sbarrier.arrive $0xFFFF  }
0x3e: {  	[sflag:s0] =	ssyncadd.tile.s32 @!p0 $0x1;
	_ =	shalt  }
.Lfunc_end2:
_tile_overlayer_lowered:
.L_overlay_start_2:
0x3f: {  	(tag) =	ssettag $0x2  }
0x40: {  	s0 =	rddreg [dreg:$0x0];
	s2 =	stileid.u32  }
0x41: {  	s1 =	rddreg [dreg:$0x1];
	p0 =	sne.s32 s2, $0x0  }
0x42: {  	s3 =	rddreg [dreg:$0x2];
	[bflag:$0x3] =	sbarrier.arrive $0xFFFF;
	s2 =	simm.s32 @!p0 $0x1C02  }
0x43: {  	[timem:s3], [sflag:s2] =	dma.local @!p0 [hbm:s0], s1  }
0x44: {  	s0 =	simm.s32 @!p0 $0x2  }
0x45: {  	_ =	swait.ge @!p0 [sflag:s0], s1  }
0x46: {  	s1 =	ssub.s32 @!p0 $0x0, s1;
	[sflag:s0] =	ssyncset.done @!p0 $0x0  }
0x47: {  	[sflag:s0] =	ssyncadd.s32 @!p0 s1  }
0x48: {  	[bflag:$0x3] =	sbarrier.arrive $0xFFFF  }
0x49: {  	_ =	shalt  }

// kernel: kernel.17.cloned.1.call-start
scs
__scs_entry_jumppad:
0x0: {  	(pc) =	sbr.rel $0x88, $3  }
0x1: {  	(tag) =	ssettag $0x0;
	lr =	simm.s32 $0x1  }
0x2: {  	[smem:$0x3F8F] =	sst lr;
	_ =	strace $0xD0000000  }
0x3: {  	_ = 	snop  }
0x4: {  	_ = 	snop  }
0x5: {  	_ = 	snop  }
0x6: {  	_ = 	snop  }
0x7: {  	_ = 	snop  }
__scs_overlays_trampoline_lowered:
0x8: {  	[smem:$0x3F9E] =	sst s0  }
0x9: {  	[smem:$0x3F9F] =	sst s1  }
0xa: {  	[smem:$0x3FA0] =	sst s2  }
0xb: {  	[smem:$0x3FA1] =	sst s3  }
0xc: {  	[smem:$0x3FA2] =	sst s4  }
0xd: {  	[smem:$0x3FA3] =	sst s5  }
0xe: {  	[smem:$0x3FA4] =	sst s6  }
0xf: {  	[smem:$0x3FA5] =	sst s7  }
0x10: {  	[smem:$0x3FA6] =	sst s8  }
0x11: {  	[smem:$0x3FA7] =	sst s9;
	s0 =	simm.s32 @!p0 $0x0  }
0x12: {  	s1 =	sld [smem:$0x3F8D];
	s0 =	simm.s32 @p0 $0x1  }
0x13: {  	[smem:$0x3FA8] =	sst s0;
	s0 =	simm.s32 @!p1 $0x0  }
0x14: {  	s2 =	sld [smem:$0x3F8C];
	s0 =	simm.s32 @p1 $0x1  }
0x15: {  	[smem:$0x3FA9] =	sst s0;
	s0 =	simm.s32 @!p2 $0x0  }
0x16: {  	s3 =	sld [smem:$0x3FDB];
	s0 =	simm.s32 @p2 $0x1  }
0x17: {  	s4 =	simm.s32 $0x1BF5;
	[smem:$0x3FAB] =	sst s0  }
0x18: {  	s0 =	sld [smem:$0x3F8E];
	_ =	swait.ge [sflag:s4], $0x0  }
0x19: {  	s7 =	sld [smem:$0x3F8F]  }
0x1a: {  	s8 =	sadd.s32 $0xFFFFE003, lr  }
0x1b: {  	s9 =	sadd.s32 $0xFFFFFEF7, lr;
	s5 =	simm.s32 $0xFFFFFFFF;
	p2 =	slt.u32 s8, $0xFFFFF086  }
0x1c: {  	p1 =	slt.u32 s9, $0xF7A;
	s5 =	simm.s32 @!p2 $0x0  }
0x1d: {  	s5 =	simm.s32 @p1 $0x1;
	p0 =	seq.s32 s7, s2  }
0x1e: {  	s7 =	smul.u32 @!p0 $0xF7A, s2;
	p2 =	seq.s32 @!p0 s5, $0x0  }
0x1f: {  	s9 =	smul.u32 $0xF7A, s1;
	s8 =	simm.s32 @!p0 $0x1BF5;
	p2 =	por !p2, p0  }
0x20: {  	[sflag:s8] =	ssyncset.s32 @!p0 $0xFFFFF086;
	s6 =	sadd.s32 @!p0 s3, s7;
	s7 =	simm.s32 @!p0 $0x108  }
0x21: {  	s3 =	sadd.s32 s3, s9;
	s6 =	sadd.s32 @!p0 $0x88, s6;
	s7 =	simm.s32 @p2 $0x1082  }
0x22: {  	[simem:s7], [sflag:s8] =	dma.local @!p0 [hbm:s6], $0xF7A  }
0x23: {  	s9 =	sor.u32 $0xD0000000, s2;
	s6 =	simm.s32 $0x108;
	_ =	swait.ge @!p0 [sflag:s8], $0x0  }
0x24: {  	s3 =	sadd.s32 $0x88, s3;
	s6 =	simm.s32 @!p1 $0x1082;
	[sflag:s4] =	ssyncset.s32 $0xFFFFF086  }
0x25: {  	[simem:s6], [sflag:s4] =	dma.local [hbm:s3], $0xF7A  }
0x26: {  	[smem:$0x3F8F] =	sst s1;
	(tag) =	ssettag s2;
	_ =	strace s9  }
0x27: {  	s1 =	sld [smem:$0x3F9F]  }
0x28: {  	s2 =	sld [smem:$0x3FA0]  }
0x29: {  	s4 =	sld [smem:$0x3FA2]  }
0x2a: {  	p0 =	seq.s32 s5, $0x0;
	s5 =	sld [smem:$0x3FA3]  }
0x2b: {  	s6 =	sld [smem:$0x3FA4]  }
0x2c: {  	s7 =	sld [smem:$0x3FA5]  }
0x2d: {  	s3 =	simm.s32 $0x108;
	s8 =	sld [smem:$0x3FA6]  }
0x2e: {  	s3 =	simm.s32 @!p0 $0x1082;
	s9 =	sld [smem:$0x3FA7]  }
0x2f: {  	lr =	sadd.s32 s0, s3;
	s0 =	sld [smem:$0x3F9E]  }
0x30: {  	s3 =	sld [smem:$0x3FA1]  }
0x31: {  	[smem:$0x3FAA] =	sst s10  }
0x32: {  	s10 =	sld [smem:$0x3FA8];
	_ =	sdelay $0x3  }
0x33: {  	p0 =	seq.s32 s10, $0x1;
	s10 =	sld [smem:$0x3FAA];
	_ =	sdelay $0x3  }
0x34: {  	[smem:$0x3FAA] =	sst s10  }
0x35: {  	s10 =	sld [smem:$0x3FA9];
	_ =	sdelay $0x3  }
0x36: {  	p1 =	seq.s32 s10, $0x1;
	s10 =	sld [smem:$0x3FAA];
	_ =	sdelay $0x3  }
0x37: {  	[smem:$0x3FAA] =	sst s10  }
0x38: {  	s10 =	sld [smem:$0x3FAB]  }
0x39: {  	_ = 	snop;
	(pc) =	sbr.ind lr, $3  }
0x3a: {  	_ = 	snop  }
0x3b: {  	_ = 	snop  }
0x3c: {  	p2 =	seq.s32 s10, $0x1;
	s10 =	sld [smem:$0x3FAA]  }
0x3d: {  	_ =	shalt  }
0x3e: {  	_ =	shalt  }
0x3f: {  	_ =	shalt  }
0x40: {  	_ =	shalt  }
0x41: {  	_ =	shalt  }
0x42: {  	_ =	shalt  }
0x43: {  	_ =	shalt  }
0x44: {  	_ =	shalt  }
0x45: {  	_ =	shalt  }
0x46: {  	_ =	shalt  }
0x47: {  	_ =	shalt  }
0x48: {  	_ =	shalt  }
0x49: {  	_ =	shalt  }
0x4a: {  	_ =	shalt  }
0x4b: {  	_ =	shalt  }
0x4c: {  	_ =	shalt  }
0x4d: {  	_ =	shalt  }
0x4e: {  	_ =	shalt  }
0x4f: {  	_ =	shalt  }
0x50: {  	_ =	shalt  }
0x51: {  	_ =	shalt  }
0x52: {  	_ =	shalt  }
0x53: {  	_ =	shalt  }
0x54: {  	_ =	shalt  }
0x55: {  	_ =	shalt  }
0x56: {  	_ =	shalt  }
0x57: {  	_ =	shalt  }
0x58: {  	_ =	shalt  }
0x59: {  	_ =	shalt  }
0x5a: {  	_ =	shalt  }
0x5b: {  	_ =	shalt  }
0x5c: {  	_ =	shalt  }
0x5d: {  	_ =	shalt  }
0x5e: {  	_ =	shalt  }
0x5f: {  	_ =	shalt  }
0x60: {  	_ =	shalt  }
0x61: {  	_ =	shalt  }
0x62: {  	_ =	shalt  }
0x63: {  	_ =	shalt  }
0x64: {  	_ =	shalt  }
0x65: {  	_ =	shalt  }
0x66: {  	_ =	shalt  }
0x67: {  	_ =	shalt  }
0x68: {  	_ =	shalt  }
0x69: {  	_ =	shalt  }
0x6a: {  	_ =	shalt  }
0x6b: {  	_ =	shalt  }
0x6c: {  	_ =	shalt  }
0x6d: {  	_ =	shalt  }
0x6e: {  	_ =	shalt  }
0x6f: {  	_ =	shalt  }
0x70: {  	_ =	shalt  }
0x71: {  	_ =	shalt  }
0x72: {  	_ =	shalt  }
0x73: {  	_ =	shalt  }
0x74: {  	_ =	shalt  }
0x75: {  	_ =	shalt  }
0x76: {  	_ =	shalt  }
0x77: {  	_ =	shalt  }
0x78: {  	_ =	shalt  }
0x79: {  	_ =	shalt  }
0x7a: {  	_ =	shalt  }
0x7b: {  	_ =	shalt  }
0x7c: {  	_ =	shalt  }
0x7d: {  	_ =	shalt  }
0x7e: {  	_ =	shalt  }
0x7f: {  	_ =	shalt  }
0x80: {  	_ =	shalt  }
0x81: {  	_ =	shalt  }
0x82: {  	_ =	shalt  }
0x83: {  	_ =	shalt  }
0x84: {  	_ =	shalt  }
0x85: {  	_ =	shalt  }
0x86: {  	_ =	shalt  }
0x87: {  	_ =	shalt  }
.Lfunc_end0:
.L_simem_size_0:
called_computation.2_lowered:
.L_overlay_start_0:
0x88: {  	s2 =	sld [smem:$0x3FD9]  }
0x89: {  	s3 =	sld [smem:$0x3FFE];
	_ =	sdelay $0x1  }
0x8a: {  	s1 =	srdreg.scid  }
0x8b: {  	s0 =	sand.u32 $0x1, s1  }
0x8c: {  	s16 =	sshll.u32 s0, $0xA;
	s2 =	sadd.s32 s3, s2  }
0x8d: {  	s2 =	sadd.s32 s2, s16  }
0x8e: {  	[smem:$0x3FB6] =	sst s2  }
0x8f: {  	_ = 	snop  }
0x90: {  	(tm) =	ssettm $0x1  }
0x91: {  	s17 =	sld [smem:$0x3FFB];
	_ =	sdelay $0x3  }
0x92: {  	_ =	strace s17  }
0x93: {  	s2 =	sld [smem:$0x3FFC];
	_ =	sdelay $0x3  }
0x94: {  	_ =	strace s2  }
0x95: {  	s2 =	sld [smem:$0x3FFD];
	_ =	sdelay $0x3  }
0x96: {  	_ =	strace s2  }
0x97: {  	_ =	strace $0x8FFFFFFF  }
0x98: {  	s18 =	sld [smem:$0x3FDB];
	_ =	sdelay $0x1  }
0x99: {  	s19 =	simm.s32 $_scs_section_size  }
0x9a: {  	s4 =	simm.s32 $_size__tile_overlayer_lowered;
	s5 =	simm.s32 $_tile_overlayer_lowered  }
0x9b: {  	s22 =	simm.s32 $0x1BFF;
	s21 =	sshll.u32 s5, $0x1;
	s2 =	sadd.s32 s19, s18  }
0x9c: {  	s6 =	simm.s32 $0x0;
	s20 =	sshll.u32 s4, $0x1;
	s4 =	sadd.s32 s21, s2  }
0x9d: {  	[timem:s6], [sflag:s22] =	dma.local [hbm:s4], s20  }
0x9e: {  	_ =	swait.ge [sflag:s22], s20  }
0x9f: {  	s3 =	ssub.s32 $0x0, s20;
	[sflag:s22] =	ssyncset.done $0x0  }
0xa0: {  	[sflag:s22] =	ssyncadd.s32 s3;
	_ =	sdelay $0x1  }
0xa1: {  	s23 =	simm.s32 $0x1B8B  }
0xa2: {  	_ =	swait.ge [sflag:s23], $0x1  }
0xa3: {  	[sflag:s23] =	ssyncset.done $0x0  }
0xa4: {  	s25 =	simm.s32 $0x1B8E;
	s24 =	sld [smem:$0x3FFE];
	[sflag:s23] =	ssyncadd.s32 $0xFFFFFFFF  }
0xa5: {  	s26 =	simm.s32 $execute0_lowered;
	[smem:$0x3FD2] =	sst s25  }
0xa6: {  	s4 =	sshll.u32 s26, $0x1;
	_ =	strace $0x8000004C;
	[dreg:$0x1] =	wrdreg $0xFFFFFFFF  }
0xa7: {  	s28 =	simm.s32 $_size_execute0_lowered;
	s2 =	sadd.s32 s2, s4;
	[dreg:$0x0] =	wrdreg $0x0  }
0xa8: {  	s4 =	sshll.u32 s28, $0x1;
	[dreg:$0x2] =	wrdreg s2  }
0xa9: {  	[dreg:$0x3] =	wrdreg s4  }
0xaa: {  	[dreg:$0x4] =	wrdreg $0xC0  }
0xab: {  	_ =	task [dreg:s6], $0x5FFFF  }
0xac: {  	[dreg:$0x1] =	wrdreg $0xFFFFFFFF  }
0xad: {  	[dreg:$0x0] =	wrdreg $0x60  }
0xae: {  	[dreg:$0x2] =	wrdreg s24  }
0xaf: {  	[dreg:$0x3] =	wrdreg $0x90000  }
0xb0: {  	[dreg:$0x4] =	wrdreg $0x9  }
0xb1: {  	_ =	task.clear_ibuf [dreg:s6], $0x5FFFF;
	_ =	strace $0x9000004C  }
0xb2: {  	s29 =	simm.s32 $0x9;
	_ =	strace $0x8000004E  }
0xb3: {  	_ =	swait.ge [sflag:s29], $0x1  }
0xb4: {  	[sflag:s29] =	ssyncadd.s32 $0xFFFFFFFF  }
0xb5: {  	_ =	strace $0x9000004E  }
0xb6: {  	_ =	sfence  }
0xb7: {  	s30 =	sld [smem:$0x0];
	_ =	sdelay $0x2  }
0xb8: {  	s31 =	sshll.u32 s1, $0xD;
	s1 =	sshrl.u32 s1, $0x2  }
0xb9: {  	s3 =	sand.u32 $0x4000, s31;
	s1 =	sadd.s32 s1, s30  }
0xba: {  	s0 =	sor.u32 s3, s0;
	s1 =	sshll.u32 s1, $0x11  }
0xbb: {  	s0 =	sor.u32 s1, s0  }
0xbc: {  	s0 =	sadd.s32 $0x8F2B, s0  }
0xbd: {  	[sflag:s0] =	ssyncadd.remote.s32 $0x1  }
0xbe: {  	_ =	sfence.sel $0xFFFF  }
0xbf: {  	[dreg:$0x0] =	wrdreg $0xFFFFFFFF;
	(pc) =	sbr.abs _section_cstart, $3  }
0xc0: {  	[dreg:$0x1] =	wrdreg $0xFFFFFFFF  }
0xc1: {  	_ =	task.clear_ibuf [dreg:s6], $0x2FFFF;
	_ =	strace $0x9FFFFFFF  }
0xc2: {  	(tm) =	ssettm $0x7FFFFFFF  }
0xc3: {  	_ =	shalt  }
tec
execute0_lowered:
.L_overlay_start_1:
0x0: {  	(tag) =	ssettag $0x1  }
0x1: {  	s1 =	srdreg.scid;
	s5 =	rddreg [dreg:$0x0]  }
0x2: {  	s0 =	stileid.u32;
	s2 =	rddreg [dreg:$0x1];
	s3 =	simm.s32 $0x0  }
0x3: {  	s14 =	simm.s32 $0x80;
	s15 =	simm.s32 $0x5000;
	s16 =	simm.s32 $0x1  }
0x4: {  	s17 =	simm.s32 $0x0;
	s6 =	sand.u32 $0x1, s1;
	s1 =	rddreg [dreg:$0x2]  }
0x5: {  	s26 =	sshll.u32 s0, $0x1;
	[smem:$0x7FF] =	sst s3;
	s8 =	smul.u32 $0x14000, s0  }
0x6: {  	s29 =	smul.u32 $0x50000, s0;
	s31 =	sshll.u32 s0, $0x6;
	s4 =	sor.u32 s6, s26  }
0x7: {  	_ =	strace $0x8000004D;
	s9 =	smul.u32 $0x140000, s6;
	s6 =	ssub.s32 $0x2, s6  }
0x8: {  	s7 =	smul.u32 $0x500, s4;
	s4 =	sadd.s32 $0x18C00, s5;
	s28 =	sshrl.u32 s8, $0x3  }
0x9: {  	s11 =	sshrl.u32 s6, $0x1;
	s30 =	sshrl.u32 s29, $0x2;
	s8 =	sadd.s32 s8, s9  }
0xa: {  	s11 =	ssub.s32 s6, s11;
	s13 =	sadd.s32 s30, s2;
	s6 =	sor.u32 $0x1C02, s31  }
0xb: {  	s10 =	sadd.s32 s7, s5;
	s7 =	sadd.s32 s28, s5;
	s8 =	sshrl.u32 s8, $0x3  }
0xc: {  	s12 =	sadd.s32 s8, s5;
	s5 =	sadd.s32 $0x40C00, s7;
	s7 =	sadd.s32 $0xEC00, s10  }
0xd: {  	s8 =	sadd.s32 $0x3C00, s10;
	s10 =	smax.u32 s11, $0x1;
	s11 =	sshrl.u32 s13, $0x3  }
0xe: {  	s13 =	simm.s32 $0x2800;
	s9 =	sadd.s32 $0x68C00, s12;
	s12 =	simm.s32 $0x2  }
.LBB2_1:
0xf: {  	[spmem:s11], [sflag:s6] =	dma.local [hbm:s5], $0x2800  }
0x10: {  	_ =	swait.ge [sflag:s12], $0x2800  }
0x11: {  	[sflag:s12] =	ssyncset.done $0x0  }
0x12: {  	[sflag:s12] =	ssyncadd.s32 $0xFFFFD800  }
0x13: {  	[tilespmem:s3], [sflag:$0x2] =	stream.linear.gather [hbm4b:s7+s3], $0x2800, $0x38;
	[tilespmem:$0x1D000] =	vst v63  }
0x14: {  	_ =	swait.ge [sflag:s12], $0x2800  }
0x15: {  	[sflag:s12] =	ssyncset.done $0x0  }
0x16: {  	[sflag:s12] =	ssyncadd.s32 $0xFFFFD800  }
0x17: {  	[tilespmem:s13], [sflag:$0x2] =	stream.linear.gather [hbm4b:s8+s3], $0x2800, $0x38;
	[tilespmem:$0x1D000] =	vst v63  }
0x18: {  	_ =	swait.ge [sflag:s12], $0x2800  }
0x19: {  	[sflag:s12] =	ssyncset.done $0x0  }
0x1a: {  	[sflag:s12] =	ssyncadd.s32 $0xFFFFD800  }
0x1b: {  	s18 =	simm.s32 $0x0;
	[bflag:$0x0] =	sbarrier.arrive $0xFFFF  }
0x1c: {  	[tilespmem:s15], [sflag:$0x1] =	stream.indirect.gather [hbm4b:s4+s14], $0x80, s18, s14, $0xb8;
	[tilespmem:$0x1D000] =	vst v63  }
0x1d: {  	_ =	swait.ge [sflag:s16], $0x4000  }
0x1e: {  	[sflag:s16] =	ssyncset.done $0x0  }
0x1f: {  	s31 =	simm.s32 $0x2800;
	[sflag:s16] =	ssyncadd.s32 $0xFFFFC000  }
0x20: {  	[spmem:s2] =	stream.indirect.scatter.add.f32 [tilespmem:s15], [sflag:$0x2], $0x80, s31, s14, $0xb8;
	[tilespmem:$0x1D000] =	vst v63  }
0x21: {  	_ =	swait.ge [sflag:s12], $0x4000  }
0x22: {  	s19 =	simm.s32 $0x400;
	s18 =	simm.s32 $0x200;
	[sflag:s12] =	ssyncset.done $0x0  }
.LBB2_2:
0x23: {  	s20 =	sshra.s32 s18, $0x2  }
0x24: {  	[sflag:s12] =	ssyncadd.s32 $0xFFFFC000;
	s18 =	smov.u32 s19;
	s21 =	sadd.s32 $0x200, s19  }
0x25: {  	[tilespmem:s15], [sflag:$0x1] =	stream.indirect.gather [hbm4b:s4+s14], $0x80, s20, s14, $0xb8;
	[tilespmem:$0x1D000] =	vst v63  }
0x26: {  	p0 =	sne.s32 s19, $0x9E00;
	_ =	swait.ge [sflag:s16], $0x4000  }
.Ltmp0:
0x27: {  	[sflag:s16] =	ssyncset.done $0x0;
	(pc) =	sbr.rel @p0 .LBB2_2-.Ltmp0, $4  }
0x28: {  	s19 =	sadd.s32 $0x2800, s20;
	[sflag:s16] =	ssyncadd.s32 $0xFFFFC000  }
0x29: {  	[spmem:s2] =	stream.indirect.scatter.add.f32 [tilespmem:s15], [sflag:$0x2], $0x80, s19, s14, $0xb8;
	[tilespmem:$0x1D000] =	vst v63  }
0x2a: {  	_ =	swait.ge [sflag:s12], $0x4000  }
0x2b: {  	s19 =	smov.u32 s21;
	[sflag:s12] =	ssyncset.done $0x0  }
0x2c: {  	s18 =	sshra.s32 s18, $0x2;
	[sflag:s12] =	ssyncadd.s32 $0xFFFFC000  }
0x2d: {  	[tilespmem:s15], [sflag:$0x1] =	stream.indirect.gather [hbm4b:s4+s14], $0x80, s18, s14, $0xb8;
	[tilespmem:$0x1D000] =	vst v63  }
0x2e: {  	_ =	swait.ge [sflag:s16], $0x4000  }
0x2f: {  	[sflag:s16] =	ssyncset.done $0x0  }
0x30: {  	s18 =	sadd.s32 $0x2800, s18;
	[sflag:s16] =	ssyncadd.s32 $0xFFFFC000  }
0x31: {  	[spmem:s2] =	stream.indirect.scatter.add.f32 [tilespmem:s15], [sflag:$0x2], $0x80, s18, s14, $0xb8;
	[tilespmem:$0x1D000] =	vst v63  }
0x32: {  	_ =	swait.ge [sflag:s12], $0x4000  }
0x33: {  	s17 =	sadd.s32 $0x1, s17;
	[sflag:s12] =	ssyncset.done $0x0  }
0x34: {  	p0 =	sne.s32 s17, s10;
	[sflag:s12] =	ssyncadd.s32 $0xFFFFC000  }
.Ltmp1:
0x35: {  	[bflag:$0x0] =	sbarrier.arrive $0xFFFF;
	(pc) =	sbr.rel @p0 .LBB2_1-.Ltmp1, $4  }
0x36: {  	[hbm:s9], [sflag:s6] =	dma.local [spmem:s11], $0x2800  }
0x37: {  	_ =	swait.ge [sflag:s12], $0x2800  }
0x38: {  	[sflag:s12] =	ssyncset.done $0x0  }
0x39: {  	[sflag:s12] =	ssyncadd.s32 $0xFFFFD800  }
0x3a: {  	_ =	sfence.sel $0x180000  }
0x3b: {  	[bflag:$0x0] =	sbarrier.arrive $0xFFFF  }
0x3c: {  	p0 =	sne.s32 s0, $0x0;
	_ =	strace $0x9000004D  }
0x3d: {  	s0 =	sadd.s32 @!p0 $0x100000, s1;
	[bflag:$0x2] =	sbarrier.arrive $0xFFFF  }
0x3e: {  	[sflag:s0] =	ssyncadd.tile.s32 @!p0 $0x1;
	_ =	shalt  }
.Lfunc_end2:
_tile_overlayer_lowered:
.L_overlay_start_2:
0x3f: {  	(tag) =	ssettag $0x2  }
0x40: {  	s0 =	rddreg [dreg:$0x0];
	s2 =	stileid.u32  }
0x41: {  	s1 =	rddreg [dreg:$0x1];
	p0 =	sne.s32 s2, $0x0  }
0x42: {  	s3 =	rddreg [dreg:$0x2];
	[bflag:$0x3] =	sbarrier.arrive $0xFFFF;
	s2 =	simm.s32 @!p0 $0x1C02  }
0x43: {  	[timem:s3], [sflag:s2] =	dma.local @!p0 [hbm:s0], s1  }
0x44: {  	s0 =	simm.s32 @!p0 $0x2  }
0x45: {  	_ =	swait.ge @!p0 [sflag:s0], s1  }
0x46: {  	s1 =	ssub.s32 @!p0 $0x0, s1;
	[sflag:s0] =	ssyncset.done @!p0 $0x0  }
0x47: {  	[sflag:s0] =	ssyncadd.s32 @!p0 s1  }
0x48: {  	[bflag:$0x3] =	sbarrier.arrive $0xFFFF  }
0x49: {  	_ =	shalt  }

// kernel: kernel.20.cloned.1.call-start
scs
__scs_entry_jumppad:
0x0: {  	(pc) =	sbr.rel $0x88, $3  }
0x1: {  	(tag) =	ssettag $0x0;
	lr =	simm.s32 $0x1  }
0x2: {  	[smem:$0x3F8F] =	sst lr;
	_ =	strace $0xD0000000  }
0x3: {  	_ = 	snop  }
0x4: {  	_ = 	snop  }
0x5: {  	_ = 	snop  }
0x6: {  	_ = 	snop  }
0x7: {  	_ = 	snop  }
__scs_overlays_trampoline_lowered:
0x8: {  	[smem:$0x3F9E] =	sst s0  }
0x9: {  	[smem:$0x3F9F] =	sst s1  }
0xa: {  	[smem:$0x3FA0] =	sst s2  }
0xb: {  	[smem:$0x3FA1] =	sst s3  }
0xc: {  	[smem:$0x3FA2] =	sst s4  }
0xd: {  	[smem:$0x3FA3] =	sst s5  }
0xe: {  	[smem:$0x3FA4] =	sst s6  }
0xf: {  	[smem:$0x3FA5] =	sst s7  }
0x10: {  	[smem:$0x3FA6] =	sst s8  }
0x11: {  	[smem:$0x3FA7] =	sst s9;
	s0 =	simm.s32 @!p0 $0x0  }
0x12: {  	s1 =	sld [smem:$0x3F8D];
	s0 =	simm.s32 @p0 $0x1  }
0x13: {  	[smem:$0x3FA8] =	sst s0;
	s0 =	simm.s32 @!p1 $0x0  }
0x14: {  	s2 =	sld [smem:$0x3F8C];
	s0 =	simm.s32 @p1 $0x1  }
0x15: {  	[smem:$0x3FA9] =	sst s0;
	s0 =	simm.s32 @!p2 $0x0  }
0x16: {  	s3 =	sld [smem:$0x3FDB];
	s0 =	simm.s32 @p2 $0x1  }
0x17: {  	s4 =	simm.s32 $0x1BF5;
	[smem:$0x3FAB] =	sst s0  }
0x18: {  	s0 =	sld [smem:$0x3F8E];
	_ =	swait.ge [sflag:s4], $0x0  }
0x19: {  	s7 =	sld [smem:$0x3F8F]  }
0x1a: {  	s8 =	sadd.s32 $0xFFFFE003, lr  }
0x1b: {  	s9 =	sadd.s32 $0xFFFFFEF7, lr;
	s5 =	simm.s32 $0xFFFFFFFF;
	p2 =	slt.u32 s8, $0xFFFFF086  }
0x1c: {  	p1 =	slt.u32 s9, $0xF7A;
	s5 =	simm.s32 @!p2 $0x0  }
0x1d: {  	s5 =	simm.s32 @p1 $0x1;
	p0 =	seq.s32 s7, s2  }
0x1e: {  	s7 =	smul.u32 @!p0 $0xF7A, s2;
	p2 =	seq.s32 @!p0 s5, $0x0  }
0x1f: {  	s9 =	smul.u32 $0xF7A, s1;
	s8 =	simm.s32 @!p0 $0x1BF5;
	p2 =	por !p2, p0  }
0x20: {  	[sflag:s8] =	ssyncset.s32 @!p0 $0xFFFFF086;
	s6 =	sadd.s32 @!p0 s3, s7;
	s7 =	simm.s32 @!p0 $0x108  }
0x21: {  	s3 =	sadd.s32 s3, s9;
	s6 =	sadd.s32 @!p0 $0x88, s6;
	s7 =	simm.s32 @p2 $0x1082  }
0x22: {  	[simem:s7], [sflag:s8] =	dma.local @!p0 [hbm:s6], $0xF7A  }
0x23: {  	s9 =	sor.u32 $0xD0000000, s2;
	s6 =	simm.s32 $0x108;
	_ =	swait.ge @!p0 [sflag:s8], $0x0  }
0x24: {  	s3 =	sadd.s32 $0x88, s3;
	s6 =	simm.s32 @!p1 $0x1082;
	[sflag:s4] =	ssyncset.s32 $0xFFFFF086  }
0x25: {  	[simem:s6], [sflag:s4] =	dma.local [hbm:s3], $0xF7A  }
0x26: {  	[smem:$0x3F8F] =	sst s1;
	(tag) =	ssettag s2;
	_ =	strace s9  }
0x27: {  	s1 =	sld [smem:$0x3F9F]  }
0x28: {  	s2 =	sld [smem:$0x3FA0]  }
0x29: {  	s4 =	sld [smem:$0x3FA2]  }
0x2a: {  	p0 =	seq.s32 s5, $0x0;
	s5 =	sld [smem:$0x3FA3]  }
0x2b: {  	s6 =	sld [smem:$0x3FA4]  }
0x2c: {  	s7 =	sld [smem:$0x3FA5]  }
0x2d: {  	s3 =	simm.s32 $0x108;
	s8 =	sld [smem:$0x3FA6]  }
0x2e: {  	s3 =	simm.s32 @!p0 $0x1082;
	s9 =	sld [smem:$0x3FA7]  }
0x2f: {  	lr =	sadd.s32 s0, s3;
	s0 =	sld [smem:$0x3F9E]  }
0x30: {  	s3 =	sld [smem:$0x3FA1]  }
0x31: {  	[smem:$0x3FAA] =	sst s10  }
0x32: {  	s10 =	sld [smem:$0x3FA8];
	_ =	sdelay $0x3  }
0x33: {  	p0 =	seq.s32 s10, $0x1;
	s10 =	sld [smem:$0x3FAA];
	_ =	sdelay $0x3  }
0x34: {  	[smem:$0x3FAA] =	sst s10  }
0x35: {  	s10 =	sld [smem:$0x3FA9];
	_ =	sdelay $0x3  }
0x36: {  	p1 =	seq.s32 s10, $0x1;
	s10 =	sld [smem:$0x3FAA];
	_ =	sdelay $0x3  }
0x37: {  	[smem:$0x3FAA] =	sst s10  }
0x38: {  	s10 =	sld [smem:$0x3FAB]  }
0x39: {  	_ = 	snop;
	(pc) =	sbr.ind lr, $3  }
0x3a: {  	_ = 	snop  }
0x3b: {  	_ = 	snop  }
0x3c: {  	p2 =	seq.s32 s10, $0x1;
	s10 =	sld [smem:$0x3FAA]  }
0x3d: {  	_ =	shalt  }
0x3e: {  	_ =	shalt  }
0x3f: {  	_ =	shalt  }
0x40: {  	_ =	shalt  }
0x41: {  	_ =	shalt  }
0x42: {  	_ =	shalt  }
0x43: {  	_ =	shalt  }
0x44: {  	_ =	shalt  }
0x45: {  	_ =	shalt  }
0x46: {  	_ =	shalt  }
0x47: {  	_ =	shalt  }
0x48: {  	_ =	shalt  }
0x49: {  	_ =	shalt  }
0x4a: {  	_ =	shalt  }
0x4b: {  	_ =	shalt  }
0x4c: {  	_ =	shalt  }
0x4d: {  	_ =	shalt  }
0x4e: {  	_ =	shalt  }
0x4f: {  	_ =	shalt  }
0x50: {  	_ =	shalt  }
0x51: {  	_ =	shalt  }
0x52: {  	_ =	shalt  }
0x53: {  	_ =	shalt  }
0x54: {  	_ =	shalt  }
0x55: {  	_ =	shalt  }
0x56: {  	_ =	shalt  }
0x57: {  	_ =	shalt  }
0x58: {  	_ =	shalt  }
0x59: {  	_ =	shalt  }
0x5a: {  	_ =	shalt  }
0x5b: {  	_ =	shalt  }
0x5c: {  	_ =	shalt  }
0x5d: {  	_ =	shalt  }
0x5e: {  	_ =	shalt  }
0x5f: {  	_ =	shalt  }
0x60: {  	_ =	shalt  }
0x61: {  	_ =	shalt  }
0x62: {  	_ =	shalt  }
0x63: {  	_ =	shalt  }
0x64: {  	_ =	shalt  }
0x65: {  	_ =	shalt  }
0x66: {  	_ =	shalt  }
0x67: {  	_ =	shalt  }
0x68: {  	_ =	shalt  }
0x69: {  	_ =	shalt  }
0x6a: {  	_ =	shalt  }
0x6b: {  	_ =	shalt  }
0x6c: {  	_ =	shalt  }
0x6d: {  	_ =	shalt  }
0x6e: {  	_ =	shalt  }
0x6f: {  	_ =	shalt  }
0x70: {  	_ =	shalt  }
0x71: {  	_ =	shalt  }
0x72: {  	_ =	shalt  }
0x73: {  	_ =	shalt  }
0x74: {  	_ =	shalt  }
0x75: {  	_ =	shalt  }
0x76: {  	_ =	shalt  }
0x77: {  	_ =	shalt  }
0x78: {  	_ =	shalt  }
0x79: {  	_ =	shalt  }
0x7a: {  	_ =	shalt  }
0x7b: {  	_ =	shalt  }
0x7c: {  	_ =	shalt  }
0x7d: {  	_ =	shalt  }
0x7e: {  	_ =	shalt  }
0x7f: {  	_ =	shalt  }
0x80: {  	_ =	shalt  }
0x81: {  	_ =	shalt  }
0x82: {  	_ =	shalt  }
0x83: {  	_ =	shalt  }
0x84: {  	_ =	shalt  }
0x85: {  	_ =	shalt  }
0x86: {  	_ =	shalt  }
0x87: {  	_ =	shalt  }
.Lfunc_end0:
.L_simem_size_0:
called_computation.3_lowered:
.L_overlay_start_0:
0x88: {  	s2 =	sld [smem:$0x3FD9]  }
0x89: {  	s3 =	sld [smem:$0x3FFE];
	_ =	sdelay $0x1  }
0x8a: {  	s1 =	srdreg.scid  }
0x8b: {  	s0 =	sand.u32 $0x1, s1  }
0x8c: {  	s16 =	sshll.u32 s0, $0xA;
	s2 =	sadd.s32 s3, s2  }
0x8d: {  	s2 =	sadd.s32 s2, s16  }
0x8e: {  	[smem:$0x3FB6] =	sst s2  }
0x8f: {  	_ = 	snop  }
0x90: {  	(tm) =	ssettm $0x1  }
0x91: {  	s17 =	sld [smem:$0x3FFB];
	_ =	sdelay $0x3  }
0x92: {  	_ =	strace s17  }
0x93: {  	s2 =	sld [smem:$0x3FFC];
	_ =	sdelay $0x3  }
0x94: {  	_ =	strace s2  }
0x95: {  	s2 =	sld [smem:$0x3FFD];
	_ =	sdelay $0x3  }
0x96: {  	_ =	strace s2  }
0x97: {  	_ =	strace $0x8FFFFFFF  }
0x98: {  	s18 =	sld [smem:$0x3FDB];
	_ =	sdelay $0x1  }
0x99: {  	s19 =	simm.s32 $_scs_section_size  }
0x9a: {  	s4 =	simm.s32 $_size__tile_overlayer_lowered;
	s5 =	simm.s32 $_tile_overlayer_lowered  }
0x9b: {  	s22 =	simm.s32 $0x1BFF;
	s21 =	sshll.u32 s5, $0x1;
	s2 =	sadd.s32 s19, s18  }
0x9c: {  	s6 =	simm.s32 $0x0;
	s20 =	sshll.u32 s4, $0x1;
	s4 =	sadd.s32 s21, s2  }
0x9d: {  	[timem:s6], [sflag:s22] =	dma.local [hbm:s4], s20  }
0x9e: {  	_ =	swait.ge [sflag:s22], s20  }
0x9f: {  	s3 =	ssub.s32 $0x0, s20;
	[sflag:s22] =	ssyncset.done $0x0  }
0xa0: {  	[sflag:s22] =	ssyncadd.s32 s3;
	_ =	sdelay $0x1  }
0xa1: {  	s23 =	simm.s32 $0x1B8B  }
0xa2: {  	_ =	swait.ge [sflag:s23], $0x1  }
0xa3: {  	[sflag:s23] =	ssyncset.done $0x0  }
0xa4: {  	s25 =	simm.s32 $0x1B8E;
	s24 =	sld [smem:$0x3FFE];
	[sflag:s23] =	ssyncadd.s32 $0xFFFFFFFF  }
0xa5: {  	s26 =	simm.s32 $execute0_lowered;
	[smem:$0x3FD2] =	sst s25  }
0xa6: {  	s4 =	sshll.u32 s26, $0x1;
	_ =	strace $0x8000004F;
	[dreg:$0x1] =	wrdreg $0xFFFFFFFF  }
0xa7: {  	s28 =	simm.s32 $_size_execute0_lowered;
	s2 =	sadd.s32 s2, s4;
	[dreg:$0x0] =	wrdreg $0x0  }
0xa8: {  	s4 =	sshll.u32 s28, $0x1;
	[dreg:$0x2] =	wrdreg s2  }
0xa9: {  	[dreg:$0x3] =	wrdreg s4  }
0xaa: {  	[dreg:$0x4] =	wrdreg $0xC0  }
0xab: {  	_ =	task [dreg:s6], $0x5FFFF  }
0xac: {  	[dreg:$0x1] =	wrdreg $0xFFFFFFFF  }
0xad: {  	[dreg:$0x0] =	wrdreg $0x60  }
0xae: {  	[dreg:$0x2] =	wrdreg s24  }
0xaf: {  	[dreg:$0x3] =	wrdreg $0x90000  }
0xb0: {  	[dreg:$0x4] =	wrdreg $0x9  }
0xb1: {  	_ =	task.clear_ibuf [dreg:s6], $0x5FFFF;
	_ =	strace $0x9000004F  }
0xb2: {  	s29 =	simm.s32 $0x9;
	_ =	strace $0x80000051  }
0xb3: {  	_ =	swait.ge [sflag:s29], $0x1  }
0xb4: {  	[sflag:s29] =	ssyncadd.s32 $0xFFFFFFFF  }
0xb5: {  	_ =	strace $0x90000051  }
0xb6: {  	_ =	sfence  }
0xb7: {  	s30 =	sld [smem:$0x0];
	_ =	sdelay $0x2  }
0xb8: {  	s31 =	sshll.u32 s1, $0xD;
	s1 =	sshrl.u32 s1, $0x2  }
0xb9: {  	s3 =	sand.u32 $0x4000, s31;
	s1 =	sadd.s32 s1, s30  }
0xba: {  	s0 =	sor.u32 s3, s0;
	s1 =	sshll.u32 s1, $0x11  }
0xbb: {  	s0 =	sor.u32 s1, s0  }
0xbc: {  	s0 =	sadd.s32 $0x8F2B, s0  }
0xbd: {  	[sflag:s0] =	ssyncadd.remote.s32 $0x1  }
0xbe: {  	_ =	sfence.sel $0xFFFF  }
0xbf: {  	[dreg:$0x0] =	wrdreg $0xFFFFFFFF;
	(pc) =	sbr.abs _section_cstart, $3  }
0xc0: {  	[dreg:$0x1] =	wrdreg $0xFFFFFFFF  }
0xc1: {  	_ =	task.clear_ibuf [dreg:s6], $0x2FFFF;
	_ =	strace $0x9FFFFFFF  }
0xc2: {  	(tm) =	ssettm $0x7FFFFFFF  }
0xc3: {  	_ =	shalt  }
tec
execute0_lowered:
.L_overlay_start_1:
0x0: {  	(tag) =	ssettag $0x1  }
0x1: {  	s1 =	srdreg.scid;
	s5 =	rddreg [dreg:$0x0]  }
0x2: {  	s0 =	stileid.u32;
	s2 =	rddreg [dreg:$0x1];
	s3 =	simm.s32 $0x0  }
0x3: {  	s14 =	simm.s32 $0x80;
	s15 =	simm.s32 $0x5000;
	s16 =	simm.s32 $0x1  }
0x4: {  	s17 =	simm.s32 $0x0;
	s6 =	sand.u32 $0x1, s1;
	s1 =	rddreg [dreg:$0x2]  }
0x5: {  	s26 =	sshll.u32 s0, $0x1;
	[smem:$0x7FF] =	sst s3;
	s8 =	smul.u32 $0x14000, s0  }
0x6: {  	s29 =	smul.u32 $0x50000, s0;
	s31 =	sshll.u32 s0, $0x6;
	s4 =	sor.u32 s6, s26  }
0x7: {  	_ =	strace $0x80000050;
	s9 =	smul.u32 $0x140000, s6;
	s6 =	ssub.s32 $0x2, s6  }
0x8: {  	s7 =	smul.u32 $0x500, s4;
	s4 =	sadd.s32 $0x18C00, s5;
	s28 =	sshrl.u32 s8, $0x3  }
0x9: {  	s11 =	sshrl.u32 s6, $0x1;
	s30 =	sshrl.u32 s29, $0x2;
	s8 =	sadd.s32 s8, s9  }
0xa: {  	s11 =	ssub.s32 s6, s11;
	s13 =	sadd.s32 s30, s2;
	s6 =	sor.u32 $0x1C02, s31  }
0xb: {  	s10 =	sadd.s32 s7, s5;
	s7 =	sadd.s32 s28, s5;
	s8 =	sshrl.u32 s8, $0x3  }
0xc: {  	s12 =	sadd.s32 s8, s5;
	s5 =	sadd.s32 $0x40C00, s7;
	s7 =	sadd.s32 $0xEC00, s10  }
0xd: {  	s8 =	sadd.s32 $0x3C00, s10;
	s10 =	smax.u32 s11, $0x1;
	s11 =	sshrl.u32 s13, $0x3  }
0xe: {  	s13 =	simm.s32 $0x2800;
	s9 =	sadd.s32 $0x68C00, s12;
	s12 =	simm.s32 $0x2  }
.LBB2_1:
0xf: {  	[spmem:s11], [sflag:s6] =	dma.local [hbm:s5], $0x2800  }
0x10: {  	_ =	swait.ge [sflag:s12], $0x2800  }
0x11: {  	[sflag:s12] =	ssyncset.done $0x0  }
0x12: {  	[sflag:s12] =	ssyncadd.s32 $0xFFFFD800  }
0x13: {  	[tilespmem:s3], [sflag:$0x2] =	stream.linear.gather [hbm4b:s7+s3], $0x2800, $0x38;
	[tilespmem:$0x1D000] =	vst v63  }
0x14: {  	_ =	swait.ge [sflag:s12], $0x2800  }
0x15: {  	[sflag:s12] =	ssyncset.done $0x0  }
0x16: {  	[sflag:s12] =	ssyncadd.s32 $0xFFFFD800  }
0x17: {  	[tilespmem:s13], [sflag:$0x2] =	stream.linear.gather [hbm4b:s8+s3], $0x2800, $0x38;
	[tilespmem:$0x1D000] =	vst v63  }
0x18: {  	_ =	swait.ge [sflag:s12], $0x2800  }
0x19: {  	[sflag:s12] =	ssyncset.done $0x0  }
0x1a: {  	[sflag:s12] =	ssyncadd.s32 $0xFFFFD800  }
0x1b: {  	s18 =	simm.s32 $0x0;
	[bflag:$0x0] =	sbarrier.arrive $0xFFFF  }
0x1c: {  	[tilespmem:s15], [sflag:$0x1] =	stream.indirect.gather [hbm4b:s4+s14], $0x80, s18, s14, $0xb8;
	[tilespmem:$0x1D000] =	vst v63  }
0x1d: {  	_ =	swait.ge [sflag:s16], $0x4000  }
0x1e: {  	[sflag:s16] =	ssyncset.done $0x0  }
0x1f: {  	s31 =	simm.s32 $0x2800;
	[sflag:s16] =	ssyncadd.s32 $0xFFFFC000  }
0x20: {  	[spmem:s2] =	stream.indirect.scatter.add.f32 [tilespmem:s15], [sflag:$0x2], $0x80, s31, s14, $0xb8;
	[tilespmem:$0x1D000] =	vst v63  }
0x21: {  	_ =	swait.ge [sflag:s12], $0x4000  }
0x22: {  	s19 =	simm.s32 $0x400;
	s18 =	simm.s32 $0x200;
	[sflag:s12] =	ssyncset.done $0x0  }
.LBB2_2:
0x23: {  	s20 =	sshra.s32 s18, $0x2  }
0x24: {  	[sflag:s12] =	ssyncadd.s32 $0xFFFFC000;
	s18 =	smov.u32 s19;
	s21 =	sadd.s32 $0x200, s19  }
0x25: {  	[tilespmem:s15], [sflag:$0x1] =	stream.indirect.gather [hbm4b:s4+s14], $0x80, s20, s14, $0xb8;
	[tilespmem:$0x1D000] =	vst v63  }
0x26: {  	p0 =	sne.s32 s19, $0x9E00;
	_ =	swait.ge [sflag:s16], $0x4000  }
.Ltmp0:
0x27: {  	[sflag:s16] =	ssyncset.done $0x0;
	(pc) =	sbr.rel @p0 .LBB2_2-.Ltmp0, $4  }
0x28: {  	s19 =	sadd.s32 $0x2800, s20;
	[sflag:s16] =	ssyncadd.s32 $0xFFFFC000  }
0x29: {  	[spmem:s2] =	stream.indirect.scatter.add.f32 [tilespmem:s15], [sflag:$0x2], $0x80, s19, s14, $0xb8;
	[tilespmem:$0x1D000] =	vst v63  }
0x2a: {  	_ =	swait.ge [sflag:s12], $0x4000  }
0x2b: {  	s19 =	smov.u32 s21;
	[sflag:s12] =	ssyncset.done $0x0  }
0x2c: {  	s18 =	sshra.s32 s18, $0x2;
	[sflag:s12] =	ssyncadd.s32 $0xFFFFC000  }
0x2d: {  	[tilespmem:s15], [sflag:$0x1] =	stream.indirect.gather [hbm4b:s4+s14], $0x80, s18, s14, $0xb8;
	[tilespmem:$0x1D000] =	vst v63  }
0x2e: {  	_ =	swait.ge [sflag:s16], $0x4000  }
0x2f: {  	[sflag:s16] =	ssyncset.done $0x0  }
0x30: {  	s18 =	sadd.s32 $0x2800, s18;
	[sflag:s16] =	ssyncadd.s32 $0xFFFFC000  }
0x31: {  	[spmem:s2] =	stream.indirect.scatter.add.f32 [tilespmem:s15], [sflag:$0x2], $0x80, s18, s14, $0xb8;
	[tilespmem:$0x1D000] =	vst v63  }
0x32: {  	_ =	swait.ge [sflag:s12], $0x4000  }
0x33: {  	s17 =	sadd.s32 $0x1, s17;
	[sflag:s12] =	ssyncset.done $0x0  }
0x34: {  	p0 =	sne.s32 s17, s10;
	[sflag:s12] =	ssyncadd.s32 $0xFFFFC000  }
.Ltmp1:
0x35: {  	[bflag:$0x0] =	sbarrier.arrive $0xFFFF;
	(pc) =	sbr.rel @p0 .LBB2_1-.Ltmp1, $4  }
0x36: {  	[hbm:s9], [sflag:s6] =	dma.local [spmem:s11], $0x2800  }
0x37: {  	_ =	swait.ge [sflag:s12], $0x2800  }
0x38: {  	[sflag:s12] =	ssyncset.done $0x0  }
0x39: {  	[sflag:s12] =	ssyncadd.s32 $0xFFFFD800  }
0x3a: {  	_ =	sfence.sel $0x180000  }
0x3b: {  	[bflag:$0x0] =	sbarrier.arrive $0xFFFF  }
0x3c: {  	p0 =	sne.s32 s0, $0x0;
	_ =	strace $0x90000050  }
0x3d: {  	s0 =	sadd.s32 @!p0 $0x100000, s1;
	[bflag:$0x2] =	sbarrier.arrive $0xFFFF  }
0x3e: {  	[sflag:s0] =	ssyncadd.tile.s32 @!p0 $0x1;
	_ =	shalt  }
.Lfunc_end2:
_tile_overlayer_lowered:
.L_overlay_start_2:
0x3f: {  	(tag) =	ssettag $0x2  }
0x40: {  	s0 =	rddreg [dreg:$0x0];
	s2 =	stileid.u32  }
0x41: {  	s1 =	rddreg [dreg:$0x1];
	p0 =	sne.s32 s2, $0x0  }
0x42: {  	s3 =	rddreg [dreg:$0x2];
	[bflag:$0x3] =	sbarrier.arrive $0xFFFF;
	s2 =	simm.s32 @!p0 $0x1C02  }
0x43: {  	[timem:s3], [sflag:s2] =	dma.local @!p0 [hbm:s0], s1  }
0x44: {  	s0 =	simm.s32 @!p0 $0x2  }
0x45: {  	_ =	swait.ge @!p0 [sflag:s0], s1  }
0x46: {  	s1 =	ssub.s32 @!p0 $0x0, s1;
	[sflag:s0] =	ssyncset.done @!p0 $0x0  }
0x47: {  	[sflag:s0] =	ssyncadd.s32 @!p0 s1  }
0x48: {  	[bflag:$0x3] =	sbarrier.arrive $0xFFFF  }
0x49: {  	_ =	shalt  }

</sc_bundles>
